<compile_context>
chip_gen: v7x
topology: tpu7x:2x2x1
jax: 0.10.2.dev20260603
libtpu: 0.0.44.dev20260713+nightly
codegen_flags: <defaults>
</compile_context>

<pallas_src>
import functools

import jax
import jax.numpy as jnp
from jax import lax
from jax.experimental import pallas as pl
from jax.experimental.pallas import tpu as pltpu
from jax.experimental.pallas import tpu_sc as plsc

D = 128
L = 16
NW = 32
CH = 64
NSLOT = 5


def _tsvec_sc(batch):
  b_per_w = batch // NW
  n_chunks = b_per_w // CH
  mesh = plsc.VectorSubcoreMesh(core_axis_name="c", subcore_axis_name="s")

  @functools.partial(
      pl.kernel,
      mesh=mesh,
      compiler_params=pltpu.CompilerParams(needs_layout_passes=False),
      out_type=jax.ShapeDtypeStruct((batch,), jnp.float32),
      scratch_types=[
          pltpu.VMEM((b_per_w,), jnp.int32),
          pltpu.VMEM((b_per_w,), jnp.int32),
          pltpu.VMEM((b_per_w,), jnp.int32),
          pltpu.VMEM((NSLOT, CH, D), jnp.float32),
          pltpu.VMEM((NSLOT, CH, D), jnp.float32),
          pltpu.VMEM((b_per_w * L,), jnp.float32),
          pltpu.VMEM((b_per_w,), jnp.float32),
          pltpu.SemaphoreType.DMA((NSLOT,)),
          pltpu.SemaphoreType.DMA((NSLOT,)),
          pltpu.SemaphoreType.DMA((NSLOT,)),
          pltpu.SemaphoreType.DMA,
          pltpu.VMEM_SHARED((1000, D), jnp.float32),
      ],
  )
  def k(head_hbm, rel_hbm, tail_hbm, ent_hbm, relemb_hbm, out_hbm,
        hidx, ridx, tidx, hbuf, tbuf, part, obuf, hsem, tsem, rsem, isem, rel_sp):
    wid = lax.axis_index("s") * 2 + lax.axis_index("c")
    base_row = wid * b_per_w

    sid0 = lax.axis_index("s") == 0

    @pl.when(sid0)
    def _():
      pltpu.async_copy(relemb_hbm, rel_sp, isem)

    span = pl.ds(base_row, b_per_w)
    idx_copies = [
        pltpu.async_copy(head_hbm.at[span], hidx, isem),
        pltpu.async_copy(rel_hbm.at[span], ridx, isem),
        pltpu.async_copy(tail_hbm.at[span], tidx, isem),
    ]
    for c in idx_copies:
      c.wait()

    def fire_ht(ci):
      slot = lax.rem(ci, NSLOT) if not isinstance(ci, int) else ci % NSLOT
      pltpu.async_copy(ent_hbm.at[hidx.at[pl.ds(ci * CH, CH)]], hbuf.at[slot], hsem.at[slot])
      pltpu.async_copy(ent_hbm.at[tidx.at[pl.ds(ci * CH, CH)]], tbuf.at[slot], tsem.at[slot])

    def wait_h(ci):
      slot = lax.rem(ci, NSLOT) if not isinstance(ci, int) else ci % NSLOT
      pltpu.make_async_copy(ent_hbm.at[hidx.at[pl.ds(ci * CH, CH)]], hbuf.at[slot],
                            hsem.at[slot]).wait()

    def fire_radd(ci):
      slot = lax.rem(ci, NSLOT) if not isinstance(ci, int) else ci % NSLOT
      pltpu.async_copy(rel_sp.at[ridx.at[pl.ds(ci * CH, CH)]], hbuf.at[slot],
                       rsem.at[slot], add=True)

    def wait_tr(ci):
      slot = lax.rem(ci, NSLOT) if not isinstance(ci, int) else ci % NSLOT
      pltpu.make_async_copy(ent_hbm.at[tidx.at[pl.ds(ci * CH, CH)]], tbuf.at[slot],
                            tsem.at[slot]).wait()
      pltpu.make_async_copy(rel_sp.at[ridx.at[pl.ds(ci * CH, CH)]], hbuf.at[slot],
                            rsem.at[slot]).wait()

    fire_ht(0)
    if n_chunks > 1:
      fire_ht(1)
    if n_chunks > 2:
      fire_ht(2)
    if n_chunks > 3:
      fire_ht(3)

    @pl.when(sid0)
    def _():
      pltpu.make_async_copy(relemb_hbm, rel_sp, isem).wait()

    plsc.subcore_barrier()
    wait_h(0)
    fire_radd(0)

    def chunk_body(ci, _):
      slot = lax.rem(ci, NSLOT)

      @pl.when(ci + 4 < n_chunks)
      def _():
        fire_ht(ci + 4)

      @pl.when(ci + 1 < n_chunks)
      def _():
        wait_h(ci + 1)
        fire_radd(ci + 1)

      wait_tr(ci)

      @plsc.parallel_loop(0, CH)
      def row_body(it):
        acc = jnp.zeros((L,), jnp.float32)
        for c in range(D // L):
          hv = hbuf[slot, it, pl.ds(c * L, L)]
          tv = tbuf[slot, it, pl.ds(c * L, L)]
          d = hv - tv
          acc = acc + d * d
        part[pl.ds((ci * CH + it) * L, L)] = acc

      return 0

    lax.fori_loop(0, n_chunks, chunk_body, 0)

    lanes = lax.iota(jnp.int32, L)

    @plsc.parallel_loop(0, b_per_w // L)
    def sum_body(blk):
      x = jnp.zeros((L,), jnp.float32)
      for j in range(L):
        pv = part[pl.ds((blk * L + j) * L, L)]
        x = jnp.where(lanes == j, jnp.sum(pv), x)
      i = plsc.bitcast(x, jnp.int32)
      i = jnp.int32(0x5F3759DF) - (i >> 1)
      y = plsc.bitcast(i, jnp.float32)
      half_x = 0.5 * x
      for _ in range(3):
        y = y * (1.5 - half_x * y * y)
      obuf[pl.ds(blk * L, L)] = -(x * y)

    pltpu.sync_copy(obuf, out_hbm.at[pl.ds(base_row, b_per_w)])

  return k


def kernel(head, relation, tail, entity_emb, relation_emb):
  batch = head.shape[0]
  return _tsvec_sc(batch)(head, relation, tail, entity_emb, relation_emb)

# --- scband reference (transcript-rebuilt; emitter-appended) ---
"""Pipeline reference for scband-tsvec-14774687498308 (READ-ONLY COPY).

The authoritative reference and input builder live on the scoring server;
editing this copy changes nothing except your own understanding.
"""

import jax, jax.numpy as jnp
import numpy as np

NUM_ENTITIES = 100000
NUM_RELATIONS = 1000
EMBED_DIM = 128
BATCH = 16384

def _xavier_uniform(key, shape):
    fan_in, fan_out = shape[0], shape[1]
    limit = float(np.sqrt(6.0 / (fan_in + fan_out)))
    return jax.random.uniform(key, shape, dtype=jnp.float32, minval=-limit, maxval=limit)

def setup_inputs(seed: int = 0) -> dict:
    key = jax.random.key(seed)
    k1, k2, k3, k4, k5 = jax.random.split(key, 5)
    head = jax.random.randint(k1, (BATCH,), 0, NUM_ENTITIES, dtype=jnp.int64 if jax.config.jax_enable_x64 else jnp.int32).astype(jnp.int32)
    relation = jax.random.randint(k2, (BATCH,), 0, NUM_RELATIONS).astype(jnp.int32)
    tail = jax.random.randint(k3, (BATCH,), 0, NUM_ENTITIES).astype(jnp.int32)
    entity_emb = _xavier_uniform(k4, (NUM_ENTITIES, EMBED_DIM))
    relation_emb = _xavier_uniform(k5, (NUM_RELATIONS, EMBED_DIM))
    return {"head": head, "relation": relation, "tail": tail,
            "entity_emb": entity_emb, "relation_emb": relation_emb}

def reference(head, relation, tail, entity_emb, relation_emb):
    # TransE scoring: score = -||h + r - t||_2
    h = jnp.take(entity_emb, head, axis=0)
    r = jnp.take(relation_emb, relation, axis=0)
    t = jnp.take(entity_emb, tail, axis=0)
    diff = h + r - t
    score = -jnp.linalg.norm(diff, ord=2, axis=-1)
    return score

if __name__ == "__main__":
    import jax
    _d = setup_inputs()
    print(jax.jit(kernel)(*tuple(_d.values())))

</pallas_src>

<mosaic_0001>
#map = affine_map<(d0, d1) -> (0)>
#map1 = affine_map<(d0, d1) -> (0, 0)>
module attributes {stable_mosaic.version = 14 : i64} {
  func.func @k(%arg0: i32, %arg1: i32, %arg2: memref<16384xi32, #tpu.memory_space<hbm>>, %arg3: memref<16384xi32, #tpu.memory_space<hbm>>, %arg4: memref<16384xi32, #tpu.memory_space<hbm>>, %arg5: memref<100000x128xf32, #tpu.memory_space<hbm>>, %arg6: memref<1000x128xf32, #tpu.memory_space<hbm>>, %arg7: memref<16384xf32, #tpu.memory_space<hbm>>, %arg8: memref<512xi32, #tpu.memory_space<vmem>>, %arg9: memref<512xi32, #tpu.memory_space<vmem>>, %arg10: memref<512xi32, #tpu.memory_space<vmem>>, %arg11: memref<5x64x128xf32, #tpu.memory_space<vmem>>, %arg12: memref<5x64x128xf32, #tpu.memory_space<vmem>>, %arg13: memref<8192xf32, #tpu.memory_space<vmem>>, %arg14: memref<512xf32, #tpu.memory_space<vmem>>, %arg15: memref<5x!tpu.dma_semaphore, #tpu.memory_space<semaphore_mem>>, %arg16: memref<5x!tpu.dma_semaphore, #tpu.memory_space<semaphore_mem>>, %arg17: memref<5x!tpu.dma_semaphore, #tpu.memory_space<semaphore_mem>>, %arg18: memref<!tpu.dma_semaphore, #tpu.memory_space<semaphore_mem>>, %arg19: memref<1000x128xf32, #tpu.memory_space<vmem_shared>>) attributes {dimension_semantics = [#tpu.dimension_semantics<core_parallel>, #tpu.dimension_semantics<subcore_parallel>], iteration_bounds = array<i64: 2, 16>, scalar_prefetch = 0 : i64, scratch_operands = 12 : i64, tpu.core_type = #tpu.core_type<sc_vector_subcore>, window_params = [{transform_indices = #map}, {transform_indices = #map}, {transform_indices = #map}, {transform_indices = #map1}, {transform_indices = #map1}, {transform_indices = #map}]} {
    %mul3A = arith.constant 2 : i32
    %mul3A_0 = arith.muli %arg1, %mul3A : i32
    %add3A = arith.addi %mul3A_0, %arg0 : i32
    %mul3A_1 = arith.constant 512 : i32
    %mul3A_2 = arith.muli %add3A, %mul3A_1 : i32
    %eq3A = arith.constant 0 : i32
    %eq3A_3 = arith.cmpi eq, %arg1, %eq3A : i32
    %convert_element_type3A = arith.extui %eq3A_3 : i1 to i32
    %cond3A = arith.constant 0 : i32
    %cond3A_4 = arith.cmpi ne, %convert_element_type3A, %cond3A : i32
    scf.if %cond3A_4 {
      tpu.enqueue_dma source(%arg6 : memref<1000x128xf32, #tpu.memory_space<hbm>>) target(%arg19 : memref<1000x128xf32, #tpu.memory_space<vmem_shared>>) target_semaphore(%arg18 : memref<!tpu.dma_semaphore, #tpu.memory_space<semaphore_mem>>)
    } else {
    }
    %dma_start3A = tpu.memref_slice %arg2[%mul3A_2] : memref<16384xi32, #tpu.memory_space<hbm>> -> memref<512xi32, #tpu.memory_space<hbm>>
    %dma_start3A_5 = tpu.memref_slice %arg2[%mul3A_2] : memref<16384xi32, #tpu.memory_space<hbm>> -> memref<512xi32, #tpu.memory_space<hbm>>
    tpu.enqueue_dma source(%dma_start3A_5 : memref<512xi32, #tpu.memory_space<hbm>>) target(%arg8 : memref<512xi32, #tpu.memory_space<vmem>>) target_semaphore(%arg18 : memref<!tpu.dma_semaphore, #tpu.memory_space<semaphore_mem>>)
    %dma_start3A_6 = tpu.memref_slice %arg3[%mul3A_2] : memref<16384xi32, #tpu.memory_space<hbm>> -> memref<512xi32, #tpu.memory_space<hbm>>
    %dma_start3A_7 = tpu.memref_slice %arg3[%mul3A_2] : memref<16384xi32, #tpu.memory_space<hbm>> -> memref<512xi32, #tpu.memory_space<hbm>>
    tpu.enqueue_dma source(%dma_start3A_7 : memref<512xi32, #tpu.memory_space<hbm>>) target(%arg9 : memref<512xi32, #tpu.memory_space<vmem>>) target_semaphore(%arg18 : memref<!tpu.dma_semaphore, #tpu.memory_space<semaphore_mem>>)
    %dma_start3A_8 = tpu.memref_slice %arg4[%mul3A_2] : memref<16384xi32, #tpu.memory_space<hbm>> -> memref<512xi32, #tpu.memory_space<hbm>>
    %dma_start3A_9 = tpu.memref_slice %arg4[%mul3A_2] : memref<16384xi32, #tpu.memory_space<hbm>> -> memref<512xi32, #tpu.memory_space<hbm>>
    tpu.enqueue_dma source(%dma_start3A_9 : memref<512xi32, #tpu.memory_space<hbm>>) target(%arg10 : memref<512xi32, #tpu.memory_space<vmem>>) target_semaphore(%arg18 : memref<!tpu.dma_semaphore, #tpu.memory_space<semaphore_mem>>)
    %dma_wait3A = tpu.memref_slice %arg2[%mul3A_2] : memref<16384xi32, #tpu.memory_space<hbm>> -> memref<512xi32, #tpu.memory_space<hbm>>
    %dma_wait3A_10 = tpu.memref_slice %arg2[%mul3A_2] : memref<16384xi32, #tpu.memory_space<hbm>> -> memref<512xi32, #tpu.memory_space<hbm>>
    tpu.wait_dma2 semaphore(%arg18 : memref<!tpu.dma_semaphore, #tpu.memory_space<semaphore_mem>>) src(%dma_wait3A_10 : memref<512xi32, #tpu.memory_space<hbm>>) dst(%arg8 : memref<512xi32, #tpu.memory_space<vmem>>)
    %dma_wait3A_11 = tpu.memref_slice %arg3[%mul3A_2] : memref<16384xi32, #tpu.memory_space<hbm>> -> memref<512xi32, #tpu.memory_space<hbm>>
    %dma_wait3A_12 = tpu.memref_slice %arg3[%mul3A_2] : memref<16384xi32, #tpu.memory_space<hbm>> -> memref<512xi32, #tpu.memory_space<hbm>>
    tpu.wait_dma2 semaphore(%arg18 : memref<!tpu.dma_semaphore, #tpu.memory_space<semaphore_mem>>) src(%dma_wait3A_12 : memref<512xi32, #tpu.memory_space<hbm>>) dst(%arg9 : memref<512xi32, #tpu.memory_space<vmem>>)
    %dma_wait3A_13 = tpu.memref_slice %arg4[%mul3A_2] : memref<16384xi32, #tpu.memory_space<hbm>> -> memref<512xi32, #tpu.memory_space<hbm>>
    %dma_wait3A_14 = tpu.memref_slice %arg4[%mul3A_2] : memref<16384xi32, #tpu.memory_space<hbm>> -> memref<512xi32, #tpu.memory_space<hbm>>
    tpu.wait_dma2 semaphore(%arg18 : memref<!tpu.dma_semaphore, #tpu.memory_space<semaphore_mem>>) src(%dma_wait3A_14 : memref<512xi32, #tpu.memory_space<hbm>>) dst(%arg10 : memref<512xi32, #tpu.memory_space<vmem>>)
    %dma_start3A_15 = arith.constant 0 : i32
    %dma_start3A_16 = arith.constant 0 : i32
    %dma_start3A_17 = arith.constant 0 : i32
    %dma_start3A_18 = arith.constant 0 : i32
    %dma_start3A_19 = tpu.memref_slice %arg11[%dma_start3A_15, %dma_start3A_17, %dma_start3A_18] : memref<5x64x128xf32, #tpu.memory_space<vmem>> -> memref<1x64x128xf32, #tpu.memory_space<vmem>>
    %dma_start3A_20 = tpu.memref_squeeze %dma_start3A_19 : memref<1x64x128xf32, #tpu.memory_space<vmem>> -> memref<64x128xf32, #tpu.memory_space<vmem>>
    %dma_start3A_21 = arith.constant 0 : i32
    %dma_start3A_22 = tpu.memref_slice %arg8[%dma_start3A_21] : memref<512xi32, #tpu.memory_space<vmem>> -> memref<64xi32, #tpu.memory_space<vmem>>
    %dma_start3A_23 = arith.constant 0 : i32
    %dma_start3A_24 = arith.constant 0 : i32
    %dma_start3A_25 = tpu.memref_slice %arg5[%dma_start3A_23, %dma_start3A_24] : memref<100000x128xf32, #tpu.memory_space<hbm>> -> memref<100000x128xf32, #tpu.memory_space<hbm>>
    %dma_start3A_26 = tpu.memref_slice %arg15[%dma_start3A_16] : memref<5x!tpu.dma_semaphore, #tpu.memory_space<semaphore_mem>> -> memref<1x!tpu.dma_semaphore, #tpu.memory_space<semaphore_mem>>
    %dma_start3A_27 = tpu.memref_squeeze %dma_start3A_26 : memref<1x!tpu.dma_semaphore, #tpu.memory_space<semaphore_mem>> -> memref<!tpu.dma_semaphore, #tpu.memory_space<semaphore_mem>>
    tpu.enqueue_indirect_dma source(%dma_start3A_25 : memref<100000x128xf32, #tpu.memory_space<hbm>>) target(%dma_start3A_20 : memref<64x128xf32, #tpu.memory_space<vmem>>) offsets(%dma_start3A_22 : memref<64xi32, #tpu.memory_space<vmem>>) semaphore(%dma_start3A_27 : memref<!tpu.dma_semaphore, #tpu.memory_space<semaphore_mem>>)
    %dma_start3A_28 = arith.constant 0 : i32
    %dma_start3A_29 = arith.constant 0 : i32
    %dma_start3A_30 = arith.constant 0 : i32
    %dma_start3A_31 = arith.constant 0 : i32
    %dma_start3A_32 = tpu.memref_slice %arg12[%dma_start3A_28, %dma_start3A_30, %dma_start3A_31] : memref<5x64x128xf32, #tpu.memory_space<vmem>> -> memref<1x64x128xf32, #tpu.memory_space<vmem>>
    %dma_start3A_33 = tpu.memref_squeeze %dma_start3A_32 : memref<1x64x128xf32, #tpu.memory_space<vmem>> -> memref<64x128xf32, #tpu.memory_space<vmem>>
    %dma_start3A_34 = arith.constant 0 : i32
    %dma_start3A_35 = tpu.memref_slice %arg10[%dma_start3A_34] : memref<512xi32, #tpu.memory_space<vmem>> -> memref<64xi32, #tpu.memory_space<vmem>>
    %dma_start3A_36 = arith.constant 0 : i32
    %dma_start3A_37 = arith.constant 0 : i32
    %dma_start3A_38 = tpu.memref_slice %arg5[%dma_start3A_36, %dma_start3A_37] : memref<100000x128xf32, #tpu.memory_space<hbm>> -> memref<100000x128xf32, #tpu.memory_space<hbm>>
    %dma_start3A_39 = tpu.memref_slice %arg16[%dma_start3A_29] : memref<5x!tpu.dma_semaphore, #tpu.memory_space<semaphore_mem>> -> memref<1x!tpu.dma_semaphore, #tpu.memory_space<semaphore_mem>>
    %dma_start3A_40 = tpu.memref_squeeze %dma_start3A_39 : memref<1x!tpu.dma_semaphore, #tpu.memory_space<semaphore_mem>> -> memref<!tpu.dma_semaphore, #tpu.memory_space<semaphore_mem>>
    tpu.enqueue_indirect_dma source(%dma_start3A_38 : memref<100000x128xf32, #tpu.memory_space<hbm>>) target(%dma_start3A_33 : memref<64x128xf32, #tpu.memory_space<vmem>>) offsets(%dma_start3A_35 : memref<64xi32, #tpu.memory_space<vmem>>) semaphore(%dma_start3A_40 : memref<!tpu.dma_semaphore, #tpu.memory_space<semaphore_mem>>)
    %dma_start3A_41 = arith.constant 1 : i32
    %dma_start3A_42 = arith.constant 1 : i32
    %dma_start3A_43 = arith.constant 0 : i32
    %dma_start3A_44 = arith.constant 0 : i32
    %dma_start3A_45 = tpu.memref_slice %arg11[%dma_start3A_41, %dma_start3A_43, %dma_start3A_44] : memref<5x64x128xf32, #tpu.memory_space<vmem>> -> memref<1x64x128xf32, #tpu.memory_space<vmem>>
    %dma_start3A_46 = tpu.memref_squeeze %dma_start3A_45 : memref<1x64x128xf32, #tpu.memory_space<vmem>> -> memref<64x128xf32, #tpu.memory_space<vmem>>
    %dma_start3A_47 = arith.constant 64 : i32
    %dma_start3A_48 = tpu.memref_slice %arg8[%dma_start3A_47] : memref<512xi32, #tpu.memory_space<vmem>> -> memref<64xi32, #tpu.memory_space<vmem>>
    %dma_start3A_49 = arith.constant 0 : i32
    %dma_start3A_50 = arith.constant 0 : i32
    %dma_start3A_51 = tpu.memref_slice %arg5[%dma_start3A_49, %dma_start3A_50] : memref<100000x128xf32, #tpu.memory_space<hbm>> -> memref<100000x128xf32, #tpu.memory_space<hbm>>
    %dma_start3A_52 = tpu.memref_slice %arg15[%dma_start3A_42] : memref<5x!tpu.dma_semaphore, #tpu.memory_space<semaphore_mem>> -> memref<1x!tpu.dma_semaphore, #tpu.memory_space<semaphore_mem>>
    %dma_start3A_53 = tpu.memref_squeeze %dma_start3A_52 : memref<1x!tpu.dma_semaphore, #tpu.memory_space<semaphore_mem>> -> memref<!tpu.dma_semaphore, #tpu.memory_space<semaphore_mem>>
    tpu.enqueue_indirect_dma source(%dma_start3A_51 : memref<100000x128xf32, #tpu.memory_space<hbm>>) target(%dma_start3A_46 : memref<64x128xf32, #tpu.memory_space<vmem>>) offsets(%dma_start3A_48 : memref<64xi32, #tpu.memory_space<vmem>>) semaphore(%dma_start3A_53 : memref<!tpu.dma_semaphore, #tpu.memory_space<semaphore_mem>>)
    %dma_start3A_54 = arith.constant 1 : i32
    %dma_start3A_55 = arith.constant 1 : i32
    %dma_start3A_56 = arith.constant 0 : i32
    %dma_start3A_57 = arith.constant 0 : i32
    %dma_start3A_58 = tpu.memref_slice %arg12[%dma_start3A_54, %dma_start3A_56, %dma_start3A_57] : memref<5x64x128xf32, #tpu.memory_space<vmem>> -> memref<1x64x128xf32, #tpu.memory_space<vmem>>
    %dma_start3A_59 = tpu.memref_squeeze %dma_start3A_58 : memref<1x64x128xf32, #tpu.memory_space<vmem>> -> memref<64x128xf32, #tpu.memory_space<vmem>>
    %dma_start3A_60 = arith.constant 64 : i32
    %dma_start3A_61 = tpu.memref_slice %arg10[%dma_start3A_60] : memref<512xi32, #tpu.memory_space<vmem>> -> memref<64xi32, #tpu.memory_space<vmem>>
    %dma_start3A_62 = arith.constant 0 : i32
    %dma_start3A_63 = arith.constant 0 : i32
    %dma_start3A_64 = tpu.memref_slice %arg5[%dma_start3A_62, %dma_start3A_63] : memref<100000x128xf32, #tpu.memory_space<hbm>> -> memref<100000x128xf32, #tpu.memory_space<hbm>>
    %dma_start3A_65 = tpu.memref_slice %arg16[%dma_start3A_55] : memref<5x!tpu.dma_semaphore, #tpu.memory_space<semaphore_mem>> -> memref<1x!tpu.dma_semaphore, #tpu.memory_space<semaphore_mem>>
    %dma_start3A_66 = tpu.memref_squeeze %dma_start3A_65 : memref<1x!tpu.dma_semaphore, #tpu.memory_space<semaphore_mem>> -> memref<!tpu.dma_semaphore, #tpu.memory_space<semaphore_mem>>
    tpu.enqueue_indirect_dma source(%dma_start3A_64 : memref<100000x128xf32, #tpu.memory_space<hbm>>) target(%dma_start3A_59 : memref<64x128xf32, #tpu.memory_space<vmem>>) offsets(%dma_start3A_61 : memref<64xi32, #tpu.memory_space<vmem>>) semaphore(%dma_start3A_66 : memref<!tpu.dma_semaphore, #tpu.memory_space<semaphore_mem>>)
    %dma_start3A_67 = arith.constant 2 : i32
    %dma_start3A_68 = arith.constant 2 : i32
    %dma_start3A_69 = arith.constant 0 : i32
    %dma_start3A_70 = arith.constant 0 : i32
    %dma_start3A_71 = tpu.memref_slice %arg11[%dma_start3A_67, %dma_start3A_69, %dma_start3A_70] : memref<5x64x128xf32, #tpu.memory_space<vmem>> -> memref<1x64x128xf32, #tpu.memory_space<vmem>>
    %dma_start3A_72 = tpu.memref_squeeze %dma_start3A_71 : memref<1x64x128xf32, #tpu.memory_space<vmem>> -> memref<64x128xf32, #tpu.memory_space<vmem>>
    %dma_start3A_73 = arith.constant 128 : i32
    %dma_start3A_74 = tpu.memref_slice %arg8[%dma_start3A_73] : memref<512xi32, #tpu.memory_space<vmem>> -> memref<64xi32, #tpu.memory_space<vmem>>
    %dma_start3A_75 = arith.constant 0 : i32
    %dma_start3A_76 = arith.constant 0 : i32
    %dma_start3A_77 = tpu.memref_slice %arg5[%dma_start3A_75, %dma_start3A_76] : memref<100000x128xf32, #tpu.memory_space<hbm>> -> memref<100000x128xf32, #tpu.memory_space<hbm>>
    %dma_start3A_78 = tpu.memref_slice %arg15[%dma_start3A_68] : memref<5x!tpu.dma_semaphore, #tpu.memory_space<semaphore_mem>> -> memref<1x!tpu.dma_semaphore, #tpu.memory_space<semaphore_mem>>
    %dma_start3A_79 = tpu.memref_squeeze %dma_start3A_78 : memref<1x!tpu.dma_semaphore, #tpu.memory_space<semaphore_mem>> -> memref<!tpu.dma_semaphore, #tpu.memory_space<semaphore_mem>>
    tpu.enqueue_indirect_dma source(%dma_start3A_77 : memref<100000x128xf32, #tpu.memory_space<hbm>>) target(%dma_start3A_72 : memref<64x128xf32, #tpu.memory_space<vmem>>) offsets(%dma_start3A_74 : memref<64xi32, #tpu.memory_space<vmem>>) semaphore(%dma_start3A_79 : memref<!tpu.dma_semaphore, #tpu.memory_space<semaphore_mem>>)
    %dma_start3A_80 = arith.constant 2 : i32
    %dma_start3A_81 = arith.constant 2 : i32
    %dma_start3A_82 = arith.constant 0 : i32
    %dma_start3A_83 = arith.constant 0 : i32
    %dma_start3A_84 = tpu.memref_slice %arg12[%dma_start3A_80, %dma_start3A_82, %dma_start3A_83] : memref<5x64x128xf32, #tpu.memory_space<vmem>> -> memref<1x64x128xf32, #tpu.memory_space<vmem>>
    %dma_start3A_85 = tpu.memref_squeeze %dma_start3A_84 : memref<1x64x128xf32, #tpu.memory_space<vmem>> -> memref<64x128xf32, #tpu.memory_space<vmem>>
    %dma_start3A_86 = arith.constant 128 : i32
    %dma_start3A_87 = tpu.memref_slice %arg10[%dma_start3A_86] : memref<512xi32, #tpu.memory_space<vmem>> -> memref<64xi32, #tpu.memory_space<vmem>>
    %dma_start3A_88 = arith.constant 0 : i32
    %dma_start3A_89 = arith.constant 0 : i32
    %dma_start3A_90 = tpu.memref_slice %arg5[%dma_start3A_88, %dma_start3A_89] : memref<100000x128xf32, #tpu.memory_space<hbm>> -> memref<100000x128xf32, #tpu.memory_space<hbm>>
    %dma_start3A_91 = tpu.memref_slice %arg16[%dma_start3A_81] : memref<5x!tpu.dma_semaphore, #tpu.memory_space<semaphore_mem>> -> memref<1x!tpu.dma_semaphore, #tpu.memory_space<semaphore_mem>>
    %dma_start3A_92 = tpu.memref_squeeze %dma_start3A_91 : memref<1x!tpu.dma_semaphore, #tpu.memory_space<semaphore_mem>> -> memref<!tpu.dma_semaphore, #tpu.memory_space<semaphore_mem>>
    tpu.enqueue_indirect_dma source(%dma_start3A_90 : memref<100000x128xf32, #tpu.memory_space<hbm>>) target(%dma_start3A_85 : memref<64x128xf32, #tpu.memory_space<vmem>>) offsets(%dma_start3A_87 : memref<64xi32, #tpu.memory_space<vmem>>) semaphore(%dma_start3A_92 : memref<!tpu.dma_semaphore, #tpu.memory_space<semaphore_mem>>)
    %dma_start3A_93 = arith.constant 3 : i32
    %dma_start3A_94 = arith.constant 3 : i32
    %dma_start3A_95 = arith.constant 0 : i32
    %dma_start3A_96 = arith.constant 0 : i32
    %dma_start3A_97 = tpu.memref_slice %arg11[%dma_start3A_93, %dma_start3A_95, %dma_start3A_96] : memref<5x64x128xf32, #tpu.memory_space<vmem>> -> memref<1x64x128xf32, #tpu.memory_space<vmem>>
    %dma_start3A_98 = tpu.memref_squeeze %dma_start3A_97 : memref<1x64x128xf32, #tpu.memory_space<vmem>> -> memref<64x128xf32, #tpu.memory_space<vmem>>
    %dma_start3A_99 = arith.constant 192 : i32
    %dma_start3A_100 = tpu.memref_slice %arg8[%dma_start3A_99] : memref<512xi32, #tpu.memory_space<vmem>> -> memref<64xi32, #tpu.memory_space<vmem>>
    %dma_start3A_101 = arith.constant 0 : i32
    %dma_start3A_102 = arith.constant 0 : i32
    %dma_start3A_103 = tpu.memref_slice %arg5[%dma_start3A_101, %dma_start3A_102] : memref<100000x128xf32, #tpu.memory_space<hbm>> -> memref<100000x128xf32, #tpu.memory_space<hbm>>
    %dma_start3A_104 = tpu.memref_slice %arg15[%dma_start3A_94] : memref<5x!tpu.dma_semaphore, #tpu.memory_space<semaphore_mem>> -> memref<1x!tpu.dma_semaphore, #tpu.memory_space<semaphore_mem>>
    %dma_start3A_105 = tpu.memref_squeeze %dma_start3A_104 : memref<1x!tpu.dma_semaphore, #tpu.memory_space<semaphore_mem>> -> memref<!tpu.dma_semaphore, #tpu.memory_space<semaphore_mem>>
    tpu.enqueue_indirect_dma source(%dma_start3A_103 : memref<100000x128xf32, #tpu.memory_space<hbm>>) target(%dma_start3A_98 : memref<64x128xf32, #tpu.memory_space<vmem>>) offsets(%dma_start3A_100 : memref<64xi32, #tpu.memory_space<vmem>>) semaphore(%dma_start3A_105 : memref<!tpu.dma_semaphore, #tpu.memory_space<semaphore_mem>>)
    %dma_start3A_106 = arith.constant 3 : i32
    %dma_start3A_107 = arith.constant 3 : i32
    %dma_start3A_108 = arith.constant 0 : i32
    %dma_start3A_109 = arith.constant 0 : i32
    %dma_start3A_110 = tpu.memref_slice %arg12[%dma_start3A_106, %dma_start3A_108, %dma_start3A_109] : memref<5x64x128xf32, #tpu.memory_space<vmem>> -> memref<1x64x128xf32, #tpu.memory_space<vmem>>
    %dma_start3A_111 = tpu.memref_squeeze %dma_start3A_110 : memref<1x64x128xf32, #tpu.memory_space<vmem>> -> memref<64x128xf32, #tpu.memory_space<vmem>>
    %dma_start3A_112 = arith.constant 192 : i32
    %dma_start3A_113 = tpu.memref_slice %arg10[%dma_start3A_112] : memref<512xi32, #tpu.memory_space<vmem>> -> memref<64xi32, #tpu.memory_space<vmem>>
    %dma_start3A_114 = arith.constant 0 : i32
    %dma_start3A_115 = arith.constant 0 : i32
    %dma_start3A_116 = tpu.memref_slice %arg5[%dma_start3A_114, %dma_start3A_115] : memref<100000x128xf32, #tpu.memory_space<hbm>> -> memref<100000x128xf32, #tpu.memory_space<hbm>>
    %dma_start3A_117 = tpu.memref_slice %arg16[%dma_start3A_107] : memref<5x!tpu.dma_semaphore, #tpu.memory_space<semaphore_mem>> -> memref<1x!tpu.dma_semaphore, #tpu.memory_space<semaphore_mem>>
    %dma_start3A_118 = tpu.memref_squeeze %dma_start3A_117 : memref<1x!tpu.dma_semaphore, #tpu.memory_space<semaphore_mem>> -> memref<!tpu.dma_semaphore, #tpu.memory_space<semaphore_mem>>
    tpu.enqueue_indirect_dma source(%dma_start3A_116 : memref<100000x128xf32, #tpu.memory_space<hbm>>) target(%dma_start3A_111 : memref<64x128xf32, #tpu.memory_space<vmem>>) offsets(%dma_start3A_113 : memref<64xi32, #tpu.memory_space<vmem>>) semaphore(%dma_start3A_118 : memref<!tpu.dma_semaphore, #tpu.memory_space<semaphore_mem>>)
    %convert_element_type3A_119 = arith.extui %eq3A_3 : i1 to i32
    %cond3A_120 = arith.constant 0 : i32
    %cond3A_121 = arith.cmpi ne, %convert_element_type3A_119, %cond3A_120 : i32
    scf.if %cond3A_121 {
      tpu.wait_dma2 semaphore(%arg18 : memref<!tpu.dma_semaphore, #tpu.memory_space<semaphore_mem>>) src(%arg6 : memref<1000x128xf32, #tpu.memory_space<hbm>>) dst(%arg19 : memref<1000x128xf32, #tpu.memory_space<vmem_shared>>)
    } else {
    }
    %barrier3A = arith.constant 0 : index
    tpu.barrier barrier_id(%barrier3A)
    %dma_wait3A_122 = arith.constant 0 : i32
    %dma_wait3A_123 = arith.constant 0 : i32
    %dma_wait3A_124 = arith.constant 0 : i32
    %dma_wait3A_125 = arith.constant 0 : i32
    %dma_wait3A_126 = tpu.memref_slice %arg11[%dma_wait3A_122, %dma_wait3A_124, %dma_wait3A_125] : memref<5x64x128xf32, #tpu.memory_space<vmem>> -> memref<1x64x128xf32, #tpu.memory_space<vmem>>
    %dma_wait3A_127 = tpu.memref_squeeze %dma_wait3A_126 : memref<1x64x128xf32, #tpu.memory_space<vmem>> -> memref<64x128xf32, #tpu.memory_space<vmem>>
    %dma_wait3A_128 = arith.constant 0 : i32
    %dma_wait3A_129 = tpu.memref_slice %arg8[%dma_wait3A_128] : memref<512xi32, #tpu.memory_space<vmem>> -> memref<64xi32, #tpu.memory_space<vmem>>
    %dma_wait3A_130 = arith.constant 0 : i32
    %dma_wait3A_131 = arith.constant 0 : i32
    %dma_wait3A_132 = tpu.memref_slice %arg5[%dma_wait3A_130, %dma_wait3A_131] : memref<100000x128xf32, #tpu.memory_space<hbm>> -> memref<100000x128xf32, #tpu.memory_space<hbm>>
    %dma_wait3A_133 = tpu.memref_slice %arg15[%dma_wait3A_123] : memref<5x!tpu.dma_semaphore, #tpu.memory_space<semaphore_mem>> -> memref<1x!tpu.dma_semaphore, #tpu.memory_space<semaphore_mem>>
    %dma_wait3A_134 = tpu.memref_squeeze %dma_wait3A_133 : memref<1x!tpu.dma_semaphore, #tpu.memory_space<semaphore_mem>> -> memref<!tpu.dma_semaphore, #tpu.memory_space<semaphore_mem>>
    tpu.wait_indirect_dma semaphore(%dma_wait3A_134 : memref<!tpu.dma_semaphore, #tpu.memory_space<semaphore_mem>>) src(%dma_wait3A_132 : memref<100000x128xf32, #tpu.memory_space<hbm>>) dst(%dma_wait3A_127 : memref<64x128xf32, #tpu.memory_space<vmem>>)
    %dma_start3A_135 = arith.constant 0 : i32
    %dma_start3A_136 = arith.constant 0 : i32
    %dma_start3A_137 = arith.constant 0 : i32
    %dma_start3A_138 = arith.constant 0 : i32
    %dma_start3A_139 = tpu.memref_slice %arg11[%dma_start3A_135, %dma_start3A_137, %dma_start3A_138] : memref<5x64x128xf32, #tpu.memory_space<vmem>> -> memref<1x64x128xf32, #tpu.memory_space<vmem>>
    %dma_start3A_140 = tpu.memref_squeeze %dma_start3A_139 : memref<1x64x128xf32, #tpu.memory_space<vmem>> -> memref<64x128xf32, #tpu.memory_space<vmem>>
    %dma_start3A_141 = arith.constant 0 : i32
    %dma_start3A_142 = tpu.memref_slice %arg9[%dma_start3A_141] : memref<512xi32, #tpu.memory_space<vmem>> -> memref<64xi32, #tpu.memory_space<vmem>>
    %dma_start3A_143 = arith.constant 0 : i32
    %dma_start3A_144 = arith.constant 0 : i32
    %dma_start3A_145 = tpu.memref_slice %arg19[%dma_start3A_143, %dma_start3A_144] : memref<1000x128xf32, #tpu.memory_space<vmem_shared>> -> memref<1000x128xf32, #tpu.memory_space<vmem_shared>>
    %dma_start3A_146 = tpu.memref_slice %arg17[%dma_start3A_136] : memref<5x!tpu.dma_semaphore, #tpu.memory_space<semaphore_mem>> -> memref<1x!tpu.dma_semaphore, #tpu.memory_space<semaphore_mem>>
    %dma_start3A_147 = tpu.memref_squeeze %dma_start3A_146 : memref<1x!tpu.dma_semaphore, #tpu.memory_space<semaphore_mem>> -> memref<!tpu.dma_semaphore, #tpu.memory_space<semaphore_mem>>
    tpu.enqueue_indirect_dma source(%dma_start3A_145 : memref<1000x128xf32, #tpu.memory_space<vmem_shared>>) target(%dma_start3A_140 : memref<64x128xf32, #tpu.memory_space<vmem>>) offsets(%dma_start3A_142 : memref<64xi32, #tpu.memory_space<vmem>>) semaphore(%dma_start3A_147 : memref<!tpu.dma_semaphore, #tpu.memory_space<semaphore_mem>>) {add = true}
    %scan3A = arith.constant 0 : i32
    %scan3A_148 = arith.constant 0 : i32
    %scan3A_149 = arith.constant 8 : i32
    %scan3A_150 = arith.addi %scan3A_148, %scan3A_149 : i32
    %scan3A_151 = arith.constant 1 : i32
    %scan3A_152 = scf.for %scan3A_156 = %scan3A_148 to %scan3A_150 step %scan3A_151 iter_args(%scan3A_157 = %scan3A) -> (i32)  : i32 {
      %rem3A = arith.constant 5 : i32
      %rem3A_158 = arith.remsi %scan3A_156, %rem3A : i32
      %add3A_159 = arith.constant 4 : i32
      %add3A_160 = arith.addi %scan3A_156, %add3A_159 : i32
      %lt3A = arith.constant 8 : i32
      %lt3A_161 = arith.cmpi slt, %add3A_160, %lt3A : i32
      %convert_element_type3A_162 = arith.extui %lt3A_161 : i1 to i32
      %cond3A_163 = arith.constant 0 : i32
      %cond3A_164 = arith.cmpi ne, %convert_element_type3A_162, %cond3A_163 : i32
      scf.if %cond3A_164 {
        %add3A_202 = arith.constant 4 : i32
        %add3A_203 = arith.addi %scan3A_156, %add3A_202 : i32
        %rem3A_204 = arith.constant 5 : i32
        %rem3A_205 = arith.remsi %add3A_203, %rem3A_204 : i32
        %mul3A_206 = arith.constant 64 : i32
        %mul3A_207 = arith.muli %add3A_203, %mul3A_206 : i32
        %dma_start3A_208 = arith.constant 0 : i32
        %dma_start3A_209 = arith.constant 0 : i32
        %dma_start3A_210 = tpu.memref_slice %arg11[%rem3A_205, %dma_start3A_208, %dma_start3A_209] : memref<5x64x128xf32, #tpu.memory_space<vmem>> -> memref<1x64x128xf32, #tpu.memory_space<vmem>>
        %dma_start3A_211 = tpu.memref_squeeze %dma_start3A_210 : memref<1x64x128xf32, #tpu.memory_space<vmem>> -> memref<64x128xf32, #tpu.memory_space<vmem>>
        %dma_start3A_212 = tpu.memref_slice %arg8[%mul3A_207] : memref<512xi32, #tpu.memory_space<vmem>> -> memref<64xi32, #tpu.memory_space<vmem>>
        %dma_start3A_213 = arith.constant 0 : i32
        %dma_start3A_214 = arith.constant 0 : i32
        %dma_start3A_215 = tpu.memref_slice %arg5[%dma_start3A_213, %dma_start3A_214] : memref<100000x128xf32, #tpu.memory_space<hbm>> -> memref<100000x128xf32, #tpu.memory_space<hbm>>
        %dma_start3A_216 = tpu.memref_slice %arg15[%rem3A_205] : memref<5x!tpu.dma_semaphore, #tpu.memory_space<semaphore_mem>> -> memref<1x!tpu.dma_semaphore, #tpu.memory_space<semaphore_mem>>
        %dma_start3A_217 = tpu.memref_squeeze %dma_start3A_216 : memref<1x!tpu.dma_semaphore, #tpu.memory_space<semaphore_mem>> -> memref<!tpu.dma_semaphore, #tpu.memory_space<semaphore_mem>>
        tpu.enqueue_indirect_dma source(%dma_start3A_215 : memref<100000x128xf32, #tpu.memory_space<hbm>>) target(%dma_start3A_211 : memref<64x128xf32, #tpu.memory_space<vmem>>) offsets(%dma_start3A_212 : memref<64xi32, #tpu.memory_space<vmem>>) semaphore(%dma_start3A_217 : memref<!tpu.dma_semaphore, #tpu.memory_space<semaphore_mem>>)
        %mul3A_218 = arith.constant 64 : i32
        %mul3A_219 = arith.muli %add3A_203, %mul3A_218 : i32
        %dma_start3A_220 = arith.constant 0 : i32
        %dma_start3A_221 = arith.constant 0 : i32
        %dma_start3A_222 = tpu.memref_slice %arg12[%rem3A_205, %dma_start3A_220, %dma_start3A_221] : memref<5x64x128xf32, #tpu.memory_space<vmem>> -> memref<1x64x128xf32, #tpu.memory_space<vmem>>
        %dma_start3A_223 = tpu.memref_squeeze %dma_start3A_222 : memref<1x64x128xf32, #tpu.memory_space<vmem>> -> memref<64x128xf32, #tpu.memory_space<vmem>>
        %dma_start3A_224 = tpu.memref_slice %arg10[%mul3A_219] : memref<512xi32, #tpu.memory_space<vmem>> -> memref<64xi32, #tpu.memory_space<vmem>>
        %dma_start3A_225 = arith.constant 0 : i32
        %dma_start3A_226 = arith.constant 0 : i32
        %dma_start3A_227 = tpu.memref_slice %arg5[%dma_start3A_225, %dma_start3A_226] : memref<100000x128xf32, #tpu.memory_space<hbm>> -> memref<100000x128xf32, #tpu.memory_space<hbm>>
        %dma_start3A_228 = tpu.memref_slice %arg16[%rem3A_205] : memref<5x!tpu.dma_semaphore, #tpu.memory_space<semaphore_mem>> -> memref<1x!tpu.dma_semaphore, #tpu.memory_space<semaphore_mem>>
        %dma_start3A_229 = tpu.memref_squeeze %dma_start3A_228 : memref<1x!tpu.dma_semaphore, #tpu.memory_space<semaphore_mem>> -> memref<!tpu.dma_semaphore, #tpu.memory_space<semaphore_mem>>
        tpu.enqueue_indirect_dma source(%dma_start3A_227 : memref<100000x128xf32, #tpu.memory_space<hbm>>) target(%dma_start3A_223 : memref<64x128xf32, #tpu.memory_space<vmem>>) offsets(%dma_start3A_224 : memref<64xi32, #tpu.memory_space<vmem>>) semaphore(%dma_start3A_229 : memref<!tpu.dma_semaphore, #tpu.memory_space<semaphore_mem>>)
      } else {
      }
      %add3A_165 = arith.constant 1 : i32
      %add3A_166 = arith.addi %scan3A_156, %add3A_165 : i32
      %lt3A_167 = arith.constant 8 : i32
      %lt3A_168 = arith.cmpi slt, %add3A_166, %lt3A_167 : i32
      %convert_element_type3A_169 = arith.extui %lt3A_168 : i1 to i32
      %cond3A_170 = arith.constant 0 : i32
      %cond3A_171 = arith.cmpi ne, %convert_element_type3A_169, %cond3A_170 : i32
      scf.if %cond3A_171 {
        %add3A_202 = arith.constant 1 : i32
        %add3A_203 = arith.addi %scan3A_156, %add3A_202 : i32
        %rem3A_204 = arith.constant 5 : i32
        %rem3A_205 = arith.remsi %add3A_203, %rem3A_204 : i32
        %mul3A_206 = arith.constant 64 : i32
        %mul3A_207 = arith.muli %add3A_203, %mul3A_206 : i32
        %dma_wait3A_208 = arith.constant 0 : i32
        %dma_wait3A_209 = arith.constant 0 : i32
        %dma_wait3A_210 = tpu.memref_slice %arg11[%rem3A_205, %dma_wait3A_208, %dma_wait3A_209] : memref<5x64x128xf32, #tpu.memory_space<vmem>> -> memref<1x64x128xf32, #tpu.memory_space<vmem>>
        %dma_wait3A_211 = tpu.memref_squeeze %dma_wait3A_210 : memref<1x64x128xf32, #tpu.memory_space<vmem>> -> memref<64x128xf32, #tpu.memory_space<vmem>>
        %dma_wait3A_212 = tpu.memref_slice %arg8[%mul3A_207] : memref<512xi32, #tpu.memory_space<vmem>> -> memref<64xi32, #tpu.memory_space<vmem>>
        %dma_wait3A_213 = arith.constant 0 : i32
        %dma_wait3A_214 = arith.constant 0 : i32
        %dma_wait3A_215 = tpu.memref_slice %arg5[%dma_wait3A_213, %dma_wait3A_214] : memref<100000x128xf32, #tpu.memory_space<hbm>> -> memref<100000x128xf32, #tpu.memory_space<hbm>>
        %dma_wait3A_216 = tpu.memref_slice %arg15[%rem3A_205] : memref<5x!tpu.dma_semaphore, #tpu.memory_space<semaphore_mem>> -> memref<1x!tpu.dma_semaphore, #tpu.memory_space<semaphore_mem>>
        %dma_wait3A_217 = tpu.memref_squeeze %dma_wait3A_216 : memref<1x!tpu.dma_semaphore, #tpu.memory_space<semaphore_mem>> -> memref<!tpu.dma_semaphore, #tpu.memory_space<semaphore_mem>>
        tpu.wait_indirect_dma semaphore(%dma_wait3A_217 : memref<!tpu.dma_semaphore, #tpu.memory_space<semaphore_mem>>) src(%dma_wait3A_215 : memref<100000x128xf32, #tpu.memory_space<hbm>>) dst(%dma_wait3A_211 : memref<64x128xf32, #tpu.memory_space<vmem>>)
        %add3A_218 = arith.constant 1 : i32
        %add3A_219 = arith.addi %scan3A_156, %add3A_218 : i32
        %rem3A_220 = arith.constant 5 : i32
        %rem3A_221 = arith.remsi %add3A_219, %rem3A_220 : i32
        %mul3A_222 = arith.constant 64 : i32
        %mul3A_223 = arith.muli %add3A_219, %mul3A_222 : i32
        %dma_start3A_224 = arith.constant 0 : i32
        %dma_start3A_225 = arith.constant 0 : i32
        %dma_start3A_226 = tpu.memref_slice %arg11[%rem3A_221, %dma_start3A_224, %dma_start3A_225] : memref<5x64x128xf32, #tpu.memory_space<vmem>> -> memref<1x64x128xf32, #tpu.memory_space<vmem>>
        %dma_start3A_227 = tpu.memref_squeeze %dma_start3A_226 : memref<1x64x128xf32, #tpu.memory_space<vmem>> -> memref<64x128xf32, #tpu.memory_space<vmem>>
        %dma_start3A_228 = tpu.memref_slice %arg9[%mul3A_223] : memref<512xi32, #tpu.memory_space<vmem>> -> memref<64xi32, #tpu.memory_space<vmem>>
        %dma_start3A_229 = arith.constant 0 : i32
        %dma_start3A_230 = arith.constant 0 : i32
        %dma_start3A_231 = tpu.memref_slice %arg19[%dma_start3A_229, %dma_start3A_230] : memref<1000x128xf32, #tpu.memory_space<vmem_shared>> -> memref<1000x128xf32, #tpu.memory_space<vmem_shared>>
        %dma_start3A_232 = tpu.memref_slice %arg17[%rem3A_221] : memref<5x!tpu.dma_semaphore, #tpu.memory_space<semaphore_mem>> -> memref<1x!tpu.dma_semaphore, #tpu.memory_space<semaphore_mem>>
        %dma_start3A_233 = tpu.memref_squeeze %dma_start3A_232 : memref<1x!tpu.dma_semaphore, #tpu.memory_space<semaphore_mem>> -> memref<!tpu.dma_semaphore, #tpu.memory_space<semaphore_mem>>
        tpu.enqueue_indirect_dma source(%dma_start3A_231 : memref<1000x128xf32, #tpu.memory_space<vmem_shared>>) target(%dma_start3A_227 : memref<64x128xf32, #tpu.memory_space<vmem>>) offsets(%dma_start3A_228 : memref<64xi32, #tpu.memory_space<vmem>>) semaphore(%dma_start3A_233 : memref<!tpu.dma_semaphore, #tpu.memory_space<semaphore_mem>>) {add = true}
      } else {
      }
      %rem3A_172 = arith.constant 5 : i32
      %rem3A_173 = arith.remsi %scan3A_156, %rem3A_172 : i32
      %mul3A_174 = arith.constant 64 : i32
      %mul3A_175 = arith.muli %scan3A_156, %mul3A_174 : i32
      %dma_wait3A_176 = arith.constant 0 : i32
      %dma_wait3A_177 = arith.constant 0 : i32
      %dma_wait3A_178 = tpu.memref_slice %arg12[%rem3A_173, %dma_wait3A_176, %dma_wait3A_177] : memref<5x64x128xf32, #tpu.memory_space<vmem>> -> memref<1x64x128xf32, #tpu.memory_space<vmem>>
      %dma_wait3A_179 = tpu.memref_squeeze %dma_wait3A_178 : memref<1x64x128xf32, #tpu.memory_space<vmem>> -> memref<64x128xf32, #tpu.memory_space<vmem>>
      %dma_wait3A_180 = tpu.memref_slice %arg10[%mul3A_175] : memref<512xi32, #tpu.memory_space<vmem>> -> memref<64xi32, #tpu.memory_space<vmem>>
      %dma_wait3A_181 = arith.constant 0 : i32
      %dma_wait3A_182 = arith.constant 0 : i32
      %dma_wait3A_183 = tpu.memref_slice %arg5[%dma_wait3A_181, %dma_wait3A_182] : memref<100000x128xf32, #tpu.memory_space<hbm>> -> memref<100000x128xf32, #tpu.memory_space<hbm>>
      %dma_wait3A_184 = tpu.memref_slice %arg16[%rem3A_173] : memref<5x!tpu.dma_semaphore, #tpu.memory_space<semaphore_mem>> -> memref<1x!tpu.dma_semaphore, #tpu.memory_space<semaphore_mem>>
      %dma_wait3A_185 = tpu.memref_squeeze %dma_wait3A_184 : memref<1x!tpu.dma_semaphore, #tpu.memory_space<semaphore_mem>> -> memref<!tpu.dma_semaphore, #tpu.memory_space<semaphore_mem>>
      tpu.wait_indirect_dma semaphore(%dma_wait3A_185 : memref<!tpu.dma_semaphore, #tpu.memory_space<semaphore_mem>>) src(%dma_wait3A_183 : memref<100000x128xf32, #tpu.memory_space<hbm>>) dst(%dma_wait3A_179 : memref<64x128xf32, #tpu.memory_space<vmem>>)
      %mul3A_186 = arith.constant 64 : i32
      %mul3A_187 = arith.muli %scan3A_156, %mul3A_186 : i32
      %dma_wait3A_188 = arith.constant 0 : i32
      %dma_wait3A_189 = arith.constant 0 : i32
      %dma_wait3A_190 = tpu.memref_slice %arg11[%rem3A_173, %dma_wait3A_188, %dma_wait3A_189] : memref<5x64x128xf32, #tpu.memory_space<vmem>> -> memref<1x64x128xf32, #tpu.memory_space<vmem>>
      %dma_wait3A_191 = tpu.memref_squeeze %dma_wait3A_190 : memref<1x64x128xf32, #tpu.memory_space<vmem>> -> memref<64x128xf32, #tpu.memory_space<vmem>>
      %dma_wait3A_192 = tpu.memref_slice %arg9[%mul3A_187] : memref<512xi32, #tpu.memory_space<vmem>> -> memref<64xi32, #tpu.memory_space<vmem>>
      %dma_wait3A_193 = arith.constant 0 : i32
      %dma_wait3A_194 = arith.constant 0 : i32
      %dma_wait3A_195 = tpu.memref_slice %arg19[%dma_wait3A_193, %dma_wait3A_194] : memref<1000x128xf32, #tpu.memory_space<vmem_shared>> -> memref<1000x128xf32, #tpu.memory_space<vmem_shared>>
      %dma_wait3A_196 = tpu.memref_slice %arg17[%rem3A_173] : memref<5x!tpu.dma_semaphore, #tpu.memory_space<semaphore_mem>> -> memref<1x!tpu.dma_semaphore, #tpu.memory_space<semaphore_mem>>
      %dma_wait3A_197 = tpu.memref_squeeze %dma_wait3A_196 : memref<1x!tpu.dma_semaphore, #tpu.memory_space<semaphore_mem>> -> memref<!tpu.dma_semaphore, #tpu.memory_space<semaphore_mem>>
      tpu.wait_indirect_dma semaphore(%dma_wait3A_197 : memref<!tpu.dma_semaphore, #tpu.memory_space<semaphore_mem>>) src(%dma_wait3A_195 : memref<1000x128xf32, #tpu.memory_space<vmem_shared>>) dst(%dma_wait3A_191 : memref<64x128xf32, #tpu.memory_space<vmem>>)
      %parallel_loop3A_198 = arith.constant 0 : i32
      %parallel_loop3A_199 = arith.constant 64 : i32
      %parallel_loop3A_200 = arith.constant 1 : i32
      scf.for %parallel_loop3A_202 = %parallel_loop3A_198 to %parallel_loop3A_199 step %parallel_loop3A_200  : i32 {
        %parallel_loop3A_203 = arith.constant 0.000000e+00 : f32
        %parallel_loop3A_204 = vector.broadcast %parallel_loop3A_203 : f32 to vector<16xf32>
        %parallel_loop3A_205 = arith.index_cast %rem3A_158 : i32 to index
        %parallel_loop3A_206 = arith.index_cast %parallel_loop3A_202 : i32 to index
        %parallel_loop3A_207 = arith.constant 0 : index
        %parallel_loop3A_208 = tpu.vector_load %arg11[%parallel_loop3A_205, %parallel_loop3A_206, %parallel_loop3A_207] {strides = array<i32>} : memref<5x64x128xf32, #tpu.memory_space<vmem>>, vector<16xf32>,
        %parallel_loop3A_209 = arith.index_cast %rem3A_158 : i32 to index
        %parallel_loop3A_210 = arith.index_cast %parallel_loop3A_202 : i32 to index
        %parallel_loop3A_211 = arith.constant 0 : index
        %parallel_loop3A_212 = tpu.vector_load %arg12[%parallel_loop3A_209, %parallel_loop3A_210, %parallel_loop3A_211] {strides = array<i32>} : memref<5x64x128xf32, #tpu.memory_space<vmem>>, vector<16xf32>,
        %parallel_loop3A_213 = arith.subf %parallel_loop3A_208, %parallel_loop3A_212 : vector<16xf32>
        %parallel_loop3A_214 = arith.mulf %parallel_loop3A_213, %parallel_loop3A_213 : vector<16xf32>
        %parallel_loop3A_215 = arith.addf %parallel_loop3A_204, %parallel_loop3A_214 : vector<16xf32>
        %parallel_loop3A_216 = arith.index_cast %rem3A_158 : i32 to index
        %parallel_loop3A_217 = arith.index_cast %parallel_loop3A_202 : i32 to index
        %parallel_loop3A_218 = arith.constant 16 : index
        %parallel_loop3A_219 = tpu.vector_load %arg11[%parallel_loop3A_216, %parallel_loop3A_217, %parallel_loop3A_218] {strides = array<i32>} : memref<5x64x128xf32, #tpu.memory_space<vmem>>, vector<16xf32>,
        %parallel_loop3A_220 = arith.index_cast %rem3A_158 : i32 to index
        %parallel_loop3A_221 = arith.index_cast %parallel_loop3A_202 : i32 to index
        %parallel_loop3A_222 = arith.constant 16 : index
        %parallel_loop3A_223 = tpu.vector_load %arg12[%parallel_loop3A_220, %parallel_loop3A_221, %parallel_loop3A_222] {strides = array<i32>} : memref<5x64x128xf32, #tpu.memory_space<vmem>>, vector<16xf32>,
        %parallel_loop3A_224 = arith.subf %parallel_loop3A_219, %parallel_loop3A_223 : vector<16xf32>
        %parallel_loop3A_225 = arith.mulf %parallel_loop3A_224, %parallel_loop3A_224 : vector<16xf32>
        %parallel_loop3A_226 = arith.addf %parallel_loop3A_215, %parallel_loop3A_225 : vector<16xf32>
        %parallel_loop3A_227 = arith.index_cast %rem3A_158 : i32 to index
        %parallel_loop3A_228 = arith.index_cast %parallel_loop3A_202 : i32 to index
        %parallel_loop3A_229 = arith.constant 32 : index
        %parallel_loop3A_230 = tpu.vector_load %arg11[%parallel_loop3A_227, %parallel_loop3A_228, %parallel_loop3A_229] {strides = array<i32>} : memref<5x64x128xf32, #tpu.memory_space<vmem>>, vector<16xf32>,
        %parallel_loop3A_231 = arith.index_cast %rem3A_158 : i32 to index
        %parallel_loop3A_232 = arith.index_cast %parallel_loop3A_202 : i32 to index
        %parallel_loop3A_233 = arith.constant 32 : index
        %parallel_loop3A_234 = tpu.vector_load %arg12[%parallel_loop3A_231, %parallel_loop3A_232, %parallel_loop3A_233] {strides = array<i32>} : memref<5x64x128xf32, #tpu.memory_space<vmem>>, vector<16xf32>,
        %parallel_loop3A_235 = arith.subf %parallel_loop3A_230, %parallel_loop3A_234 : vector<16xf32>
        %parallel_loop3A_236 = arith.mulf %parallel_loop3A_235, %parallel_loop3A_235 : vector<16xf32>
        %parallel_loop3A_237 = arith.addf %parallel_loop3A_226, %parallel_loop3A_236 : vector<16xf32>
        %parallel_loop3A_238 = arith.index_cast %rem3A_158 : i32 to index
        %parallel_loop3A_239 = arith.index_cast %parallel_loop3A_202 : i32 to index
        %parallel_loop3A_240 = arith.constant 48 : index
        %parallel_loop3A_241 = tpu.vector_load %arg11[%parallel_loop3A_238, %parallel_loop3A_239, %parallel_loop3A_240] {strides = array<i32>} : memref<5x64x128xf32, #tpu.memory_space<vmem>>, vector<16xf32>,
        %parallel_loop3A_242 = arith.index_cast %rem3A_158 : i32 to index
        %parallel_loop3A_243 = arith.index_cast %parallel_loop3A_202 : i32 to index
        %parallel_loop3A_244 = arith.constant 48 : index
        %parallel_loop3A_245 = tpu.vector_load %arg12[%parallel_loop3A_242, %parallel_loop3A_243, %parallel_loop3A_244] {strides = array<i32>} : memref<5x64x128xf32, #tpu.memory_space<vmem>>, vector<16xf32>,
        %parallel_loop3A_246 = arith.subf %parallel_loop3A_241, %parallel_loop3A_245 : vector<16xf32>
        %parallel_loop3A_247 = arith.mulf %parallel_loop3A_246, %parallel_loop3A_246 : vector<16xf32>
        %parallel_loop3A_248 = arith.addf %parallel_loop3A_237, %parallel_loop3A_247 : vector<16xf32>
        %parallel_loop3A_249 = arith.index_cast %rem3A_158 : i32 to index
        %parallel_loop3A_250 = arith.index_cast %parallel_loop3A_202 : i32 to index
        %parallel_loop3A_251 = arith.constant 64 : index
        %parallel_loop3A_252 = tpu.vector_load %arg11[%parallel_loop3A_249, %parallel_loop3A_250, %parallel_loop3A_251] {strides = array<i32>} : memref<5x64x128xf32, #tpu.memory_space<vmem>>, vector<16xf32>,
        %parallel_loop3A_253 = arith.index_cast %rem3A_158 : i32 to index
        %parallel_loop3A_254 = arith.index_cast %parallel_loop3A_202 : i32 to index
        %parallel_loop3A_255 = arith.constant 64 : index
        %parallel_loop3A_256 = tpu.vector_load %arg12[%parallel_loop3A_253, %parallel_loop3A_254, %parallel_loop3A_255] {strides = array<i32>} : memref<5x64x128xf32, #tpu.memory_space<vmem>>, vector<16xf32>,
        %parallel_loop3A_257 = arith.subf %parallel_loop3A_252, %parallel_loop3A_256 : vector<16xf32>
        %parallel_loop3A_258 = arith.mulf %parallel_loop3A_257, %parallel_loop3A_257 : vector<16xf32>
        %parallel_loop3A_259 = arith.addf %parallel_loop3A_248, %parallel_loop3A_258 : vector<16xf32>
        %parallel_loop3A_260 = arith.index_cast %rem3A_158 : i32 to index
        %parallel_loop3A_261 = arith.index_cast %parallel_loop3A_202 : i32 to index
        %parallel_loop3A_262 = arith.constant 80 : index
        %parallel_loop3A_263 = tpu.vector_load %arg11[%parallel_loop3A_260, %parallel_loop3A_261, %parallel_loop3A_262] {strides = array<i32>} : memref<5x64x128xf32, #tpu.memory_space<vmem>>, vector<16xf32>,
        %parallel_loop3A_264 = arith.index_cast %rem3A_158 : i32 to index
        %parallel_loop3A_265 = arith.index_cast %parallel_loop3A_202 : i32 to index
        %parallel_loop3A_266 = arith.constant 80 : index
        %parallel_loop3A_267 = tpu.vector_load %arg12[%parallel_loop3A_264, %parallel_loop3A_265, %parallel_loop3A_266] {strides = array<i32>} : memref<5x64x128xf32, #tpu.memory_space<vmem>>, vector<16xf32>,
        %parallel_loop3A_268 = arith.subf %parallel_loop3A_263, %parallel_loop3A_267 : vector<16xf32>
        %parallel_loop3A_269 = arith.mulf %parallel_loop3A_268, %parallel_loop3A_268 : vector<16xf32>
        %parallel_loop3A_270 = arith.addf %parallel_loop3A_259, %parallel_loop3A_269 : vector<16xf32>
        %parallel_loop3A_271 = arith.index_cast %rem3A_158 : i32 to index
        %parallel_loop3A_272 = arith.index_cast %parallel_loop3A_202 : i32 to index
        %parallel_loop3A_273 = arith.constant 96 : index
        %parallel_loop3A_274 = tpu.vector_load %arg11[%parallel_loop3A_271, %parallel_loop3A_272, %parallel_loop3A_273] {strides = array<i32>} : memref<5x64x128xf32, #tpu.memory_space<vmem>>, vector<16xf32>,
        %parallel_loop3A_275 = arith.index_cast %rem3A_158 : i32 to index
        %parallel_loop3A_276 = arith.index_cast %parallel_loop3A_202 : i32 to index
        %parallel_loop3A_277 = arith.constant 96 : index
        %parallel_loop3A_278 = tpu.vector_load %arg12[%parallel_loop3A_275, %parallel_loop3A_276, %parallel_loop3A_277] {strides = array<i32>} : memref<5x64x128xf32, #tpu.memory_space<vmem>>, vector<16xf32>,
        %parallel_loop3A_279 = arith.subf %parallel_loop3A_274, %parallel_loop3A_278 : vector<16xf32>
        %parallel_loop3A_280 = arith.mulf %parallel_loop3A_279, %parallel_loop3A_279 : vector<16xf32>
        %parallel_loop3A_281 = arith.addf %parallel_loop3A_270, %parallel_loop3A_280 : vector<16xf32>
        %parallel_loop3A_282 = arith.index_cast %rem3A_158 : i32 to index
        %parallel_loop3A_283 = arith.index_cast %parallel_loop3A_202 : i32 to index
        %parallel_loop3A_284 = arith.constant 112 : index
        %parallel_loop3A_285 = tpu.vector_load %arg11[%parallel_loop3A_282, %parallel_loop3A_283, %parallel_loop3A_284] {strides = array<i32>} : memref<5x64x128xf32, #tpu.memory_space<vmem>>, vector<16xf32>,
        %parallel_loop3A_286 = arith.index_cast %rem3A_158 : i32 to index
        %parallel_loop3A_287 = arith.index_cast %parallel_loop3A_202 : i32 to index
        %parallel_loop3A_288 = arith.constant 112 : index
        %parallel_loop3A_289 = tpu.vector_load %arg12[%parallel_loop3A_286, %parallel_loop3A_287, %parallel_loop3A_288] {strides = array<i32>} : memref<5x64x128xf32, #tpu.memory_space<vmem>>, vector<16xf32>,
        %parallel_loop3A_290 = arith.subf %parallel_loop3A_285, %parallel_loop3A_289 : vector<16xf32>
        %parallel_loop3A_291 = arith.mulf %parallel_loop3A_290, %parallel_loop3A_290 : vector<16xf32>
        %parallel_loop3A_292 = arith.addf %parallel_loop3A_281, %parallel_loop3A_291 : vector<16xf32>
        %parallel_loop3A_293 = arith.constant 64 : i32
        %parallel_loop3A_294 = arith.muli %scan3A_156, %parallel_loop3A_293 : i32
        %parallel_loop3A_295 = arith.addi %parallel_loop3A_294, %parallel_loop3A_202 : i32
        %parallel_loop3A_296 = arith.constant 16 : i32
        %parallel_loop3A_297 = arith.muli %parallel_loop3A_295, %parallel_loop3A_296 : i32
        %parallel_loop3A_298 = arith.index_cast %parallel_loop3A_297 : i32 to index
        %parallel_loop3A_299 = tpu.vector_load %arg13[%parallel_loop3A_298] {strides = array<i32>} : memref<8192xf32, #tpu.memory_space<vmem>>, vector<16xf32>,
        tpu.vector_store %arg13[%parallel_loop3A_298], %parallel_loop3A_292 {strides = array<i32>} : memref<8192xf32, #tpu.memory_space<vmem>>, vector<16xf32>,
      } {sc.loop_unroll_factor = 1 : i64, sc.parallel_access}
      %scan3A_201 = arith.constant 0 : i32
      scf.yield %scan3A_201 : i32
    }
    %scan3A_153 = arith.constant 8 : i32
    %iota3A = tpu.iota {dimensions = array<i32: 0>} : vector<16xi32>
    %parallel_loop3A = arith.constant 0 : i32
    %parallel_loop3A_154 = arith.constant 32 : i32
    %parallel_loop3A_155 = arith.constant 1 : i32
    scf.for %parallel_loop3A_156 = %parallel_loop3A to %parallel_loop3A_154 step %parallel_loop3A_155  : i32 {
      %parallel_loop3A_157 = arith.constant 0.000000e+00 : f32
      %parallel_loop3A_158 = vector.broadcast %parallel_loop3A_157 : f32 to vector<16xf32>
      %parallel_loop3A_159 = arith.constant 16 : i32
      %parallel_loop3A_160 = arith.muli %parallel_loop3A_156, %parallel_loop3A_159 : i32
      %parallel_loop3A_161 = arith.constant 0 : i32
      %parallel_loop3A_162 = arith.addi %parallel_loop3A_160, %parallel_loop3A_161 : i32
      %parallel_loop3A_163 = arith.constant 16 : i32
      %parallel_loop3A_164 = arith.muli %parallel_loop3A_162, %parallel_loop3A_163 : i32
      %parallel_loop3A_165 = arith.index_cast %parallel_loop3A_164 : i32 to index
      %parallel_loop3A_166 = tpu.vector_load %arg13[%parallel_loop3A_165] {strides = array<i32>} : memref<8192xf32, #tpu.memory_space<vmem>>, vector<16xf32>,
      %parallel_loop3A_167 = arith.constant 0 : i32
      %parallel_loop3A_168 = vector.broadcast %parallel_loop3A_167 : i32 to vector<16xi32>
      %parallel_loop3A_169 = arith.cmpi eq, %iota3A, %parallel_loop3A_168 : vector<16xi32>
      %parallel_loop3A_170 = arith.constant true
      %parallel_loop3A_171 = vector.broadcast %parallel_loop3A_170 : i1 to vector<16xi1>
      %parallel_loop3A_172 = tpu.scan <sum>, %parallel_loop3A_166 masked %parallel_loop3A_171 : vector<16xf32>, vector<16xi1> -> vector<16xf32>
      %parallel_loop3A_173 = vector.extract %parallel_loop3A_172[15] : f32 from vector<16xf32>
      %parallel_loop3A_174 = vector.broadcast %parallel_loop3A_173 : f32 to vector<16xf32>
      %parallel_loop3A_175 = arith.select %parallel_loop3A_169, %parallel_loop3A_174, %parallel_loop3A_158 : vector<16xi1>, vector<16xf32>
      %parallel_loop3A_176 = arith.constant 16 : i32
      %parallel_loop3A_177 = arith.muli %parallel_loop3A_156, %parallel_loop3A_176 : i32
      %parallel_loop3A_178 = arith.constant 1 : i32
      %parallel_loop3A_179 = arith.addi %parallel_loop3A_177, %parallel_loop3A_178 : i32
      %parallel_loop3A_180 = arith.constant 16 : i32
      %parallel_loop3A_181 = arith.muli %parallel_loop3A_179, %parallel_loop3A_180 : i32
      %parallel_loop3A_182 = arith.index_cast %parallel_loop3A_181 : i32 to index
      %parallel_loop3A_183 = tpu.vector_load %arg13[%parallel_loop3A_182] {strides = array<i32>} : memref<8192xf32, #tpu.memory_space<vmem>>, vector<16xf32>,
      %parallel_loop3A_184 = arith.constant 1 : i32
      %parallel_loop3A_185 = vector.broadcast %parallel_loop3A_184 : i32 to vector<16xi32>
      %parallel_loop3A_186 = arith.cmpi eq, %iota3A, %parallel_loop3A_185 : vector<16xi32>
      %parallel_loop3A_187 = arith.constant true
      %parallel_loop3A_188 = vector.broadcast %parallel_loop3A_187 : i1 to vector<16xi1>
      %parallel_loop3A_189 = tpu.scan <sum>, %parallel_loop3A_183 masked %parallel_loop3A_188 : vector<16xf32>, vector<16xi1> -> vector<16xf32>
      %parallel_loop3A_190 = vector.extract %parallel_loop3A_189[15] : f32 from vector<16xf32>
      %parallel_loop3A_191 = vector.broadcast %parallel_loop3A_190 : f32 to vector<16xf32>
      %parallel_loop3A_192 = arith.select %parallel_loop3A_186, %parallel_loop3A_191, %parallel_loop3A_175 : vector<16xi1>, vector<16xf32>
      %parallel_loop3A_193 = arith.constant 16 : i32
      %parallel_loop3A_194 = arith.muli %parallel_loop3A_156, %parallel_loop3A_193 : i32
      %parallel_loop3A_195 = arith.constant 2 : i32
      %parallel_loop3A_196 = arith.addi %parallel_loop3A_194, %parallel_loop3A_195 : i32
      %parallel_loop3A_197 = arith.constant 16 : i32
      %parallel_loop3A_198 = arith.muli %parallel_loop3A_196, %parallel_loop3A_197 : i32
      %parallel_loop3A_199 = arith.index_cast %parallel_loop3A_198 : i32 to index
      %parallel_loop3A_200 = tpu.vector_load %arg13[%parallel_loop3A_199] {strides = array<i32>} : memref<8192xf32, #tpu.memory_space<vmem>>, vector<16xf32>,
      %parallel_loop3A_201 = arith.constant 2 : i32
      %parallel_loop3A_202 = vector.broadcast %parallel_loop3A_201 : i32 to vector<16xi32>
      %parallel_loop3A_203 = arith.cmpi eq, %iota3A, %parallel_loop3A_202 : vector<16xi32>
      %parallel_loop3A_204 = arith.constant true
      %parallel_loop3A_205 = vector.broadcast %parallel_loop3A_204 : i1 to vector<16xi1>
      %parallel_loop3A_206 = tpu.scan <sum>, %parallel_loop3A_200 masked %parallel_loop3A_205 : vector<16xf32>, vector<16xi1> -> vector<16xf32>
      %parallel_loop3A_207 = vector.extract %parallel_loop3A_206[15] : f32 from vector<16xf32>
      %parallel_loop3A_208 = vector.broadcast %parallel_loop3A_207 : f32 to vector<16xf32>
      %parallel_loop3A_209 = arith.select %parallel_loop3A_203, %parallel_loop3A_208, %parallel_loop3A_192 : vector<16xi1>, vector<16xf32>
      %parallel_loop3A_210 = arith.constant 16 : i32
      %parallel_loop3A_211 = arith.muli %parallel_loop3A_156, %parallel_loop3A_210 : i32
      %parallel_loop3A_212 = arith.constant 3 : i32
      %parallel_loop3A_213 = arith.addi %parallel_loop3A_211, %parallel_loop3A_212 : i32
      %parallel_loop3A_214 = arith.constant 16 : i32
      %parallel_loop3A_215 = arith.muli %parallel_loop3A_213, %parallel_loop3A_214 : i32
      %parallel_loop3A_216 = arith.index_cast %parallel_loop3A_215 : i32 to index
      %parallel_loop3A_217 = tpu.vector_load %arg13[%parallel_loop3A_216] {strides = array<i32>} : memref<8192xf32, #tpu.memory_space<vmem>>, vector<16xf32>,
      %parallel_loop3A_218 = arith.constant 3 : i32
      %parallel_loop3A_219 = vector.broadcast %parallel_loop3A_218 : i32 to vector<16xi32>
      %parallel_loop3A_220 = arith.cmpi eq, %iota3A, %parallel_loop3A_219 : vector<16xi32>
      %parallel_loop3A_221 = arith.constant true
      %parallel_loop3A_222 = vector.broadcast %parallel_loop3A_221 : i1 to vector<16xi1>
      %parallel_loop3A_223 = tpu.scan <sum>, %parallel_loop3A_217 masked %parallel_loop3A_222 : vector<16xf32>, vector<16xi1> -> vector<16xf32>
      %parallel_loop3A_224 = vector.extract %parallel_loop3A_223[15] : f32 from vector<16xf32>
      %parallel_loop3A_225 = vector.broadcast %parallel_loop3A_224 : f32 to vector<16xf32>
      %parallel_loop3A_226 = arith.select %parallel_loop3A_220, %parallel_loop3A_225, %parallel_loop3A_209 : vector<16xi1>, vector<16xf32>
      %parallel_loop3A_227 = arith.constant 16 : i32
      %parallel_loop3A_228 = arith.muli %parallel_loop3A_156, %parallel_loop3A_227 : i32
      %parallel_loop3A_229 = arith.constant 4 : i32
      %parallel_loop3A_230 = arith.addi %parallel_loop3A_228, %parallel_loop3A_229 : i32
      %parallel_loop3A_231 = arith.constant 16 : i32
      %parallel_loop3A_232 = arith.muli %parallel_loop3A_230, %parallel_loop3A_231 : i32
      %parallel_loop3A_233 = arith.index_cast %parallel_loop3A_232 : i32 to index
      %parallel_loop3A_234 = tpu.vector_load %arg13[%parallel_loop3A_233] {strides = array<i32>} : memref<8192xf32, #tpu.memory_space<vmem>>, vector<16xf32>,
      %parallel_loop3A_235 = arith.constant 4 : i32
      %parallel_loop3A_236 = vector.broadcast %parallel_loop3A_235 : i32 to vector<16xi32>
      %parallel_loop3A_237 = arith.cmpi eq, %iota3A, %parallel_loop3A_236 : vector<16xi32>
      %parallel_loop3A_238 = arith.constant true
      %parallel_loop3A_239 = vector.broadcast %parallel_loop3A_238 : i1 to vector<16xi1>
      %parallel_loop3A_240 = tpu.scan <sum>, %parallel_loop3A_234 masked %parallel_loop3A_239 : vector<16xf32>, vector<16xi1> -> vector<16xf32>
      %parallel_loop3A_241 = vector.extract %parallel_loop3A_240[15] : f32 from vector<16xf32>
      %parallel_loop3A_242 = vector.broadcast %parallel_loop3A_241 : f32 to vector<16xf32>
      %parallel_loop3A_243 = arith.select %parallel_loop3A_237, %parallel_loop3A_242, %parallel_loop3A_226 : vector<16xi1>, vector<16xf32>
      %parallel_loop3A_244 = arith.constant 16 : i32
      %parallel_loop3A_245 = arith.muli %parallel_loop3A_156, %parallel_loop3A_244 : i32
      %parallel_loop3A_246 = arith.constant 5 : i32
      %parallel_loop3A_247 = arith.addi %parallel_loop3A_245, %parallel_loop3A_246 : i32
      %parallel_loop3A_248 = arith.constant 16 : i32
      %parallel_loop3A_249 = arith.muli %parallel_loop3A_247, %parallel_loop3A_248 : i32
      %parallel_loop3A_250 = arith.index_cast %parallel_loop3A_249 : i32 to index
      %parallel_loop3A_251 = tpu.vector_load %arg13[%parallel_loop3A_250] {strides = array<i32>} : memref<8192xf32, #tpu.memory_space<vmem>>, vector<16xf32>,
      %parallel_loop3A_252 = arith.constant 5 : i32
      %parallel_loop3A_253 = vector.broadcast %parallel_loop3A_252 : i32 to vector<16xi32>
      %parallel_loop3A_254 = arith.cmpi eq, %iota3A, %parallel_loop3A_253 : vector<16xi32>
      %parallel_loop3A_255 = arith.constant true
      %parallel_loop3A_256 = vector.broadcast %parallel_loop3A_255 : i1 to vector<16xi1>
      %parallel_loop3A_257 = tpu.scan <sum>, %parallel_loop3A_251 masked %parallel_loop3A_256 : vector<16xf32>, vector<16xi1> -> vector<16xf32>
      %parallel_loop3A_258 = vector.extract %parallel_loop3A_257[15] : f32 from vector<16xf32>
      %parallel_loop3A_259 = vector.broadcast %parallel_loop3A_258 : f32 to vector<16xf32>
      %parallel_loop3A_260 = arith.select %parallel_loop3A_254, %parallel_loop3A_259, %parallel_loop3A_243 : vector<16xi1>, vector<16xf32>
      %parallel_loop3A_261 = arith.constant 16 : i32
      %parallel_loop3A_262 = arith.muli %parallel_loop3A_156, %parallel_loop3A_261 : i32
      %parallel_loop3A_263 = arith.constant 6 : i32
      %parallel_loop3A_264 = arith.addi %parallel_loop3A_262, %parallel_loop3A_263 : i32
      %parallel_loop3A_265 = arith.constant 16 : i32
      %parallel_loop3A_266 = arith.muli %parallel_loop3A_264, %parallel_loop3A_265 : i32
      %parallel_loop3A_267 = arith.index_cast %parallel_loop3A_266 : i32 to index
      %parallel_loop3A_268 = tpu.vector_load %arg13[%parallel_loop3A_267] {strides = array<i32>} : memref<8192xf32, #tpu.memory_space<vmem>>, vector<16xf32>,
      %parallel_loop3A_269 = arith.constant 6 : i32
      %parallel_loop3A_270 = vector.broadcast %parallel_loop3A_269 : i32 to vector<16xi32>
      %parallel_loop3A_271 = arith.cmpi eq, %iota3A, %parallel_loop3A_270 : vector<16xi32>
      %parallel_loop3A_272 = arith.constant true
      %parallel_loop3A_273 = vector.broadcast %parallel_loop3A_272 : i1 to vector<16xi1>
      %parallel_loop3A_274 = tpu.scan <sum>, %parallel_loop3A_268 masked %parallel_loop3A_273 : vector<16xf32>, vector<16xi1> -> vector<16xf32>
      %parallel_loop3A_275 = vector.extract %parallel_loop3A_274[15] : f32 from vector<16xf32>
      %parallel_loop3A_276 = vector.broadcast %parallel_loop3A_275 : f32 to vector<16xf32>
      %parallel_loop3A_277 = arith.select %parallel_loop3A_271, %parallel_loop3A_276, %parallel_loop3A_260 : vector<16xi1>, vector<16xf32>
      %parallel_loop3A_278 = arith.constant 16 : i32
      %parallel_loop3A_279 = arith.muli %parallel_loop3A_156, %parallel_loop3A_278 : i32
      %parallel_loop3A_280 = arith.constant 7 : i32
      %parallel_loop3A_281 = arith.addi %parallel_loop3A_279, %parallel_loop3A_280 : i32
      %parallel_loop3A_282 = arith.constant 16 : i32
      %parallel_loop3A_283 = arith.muli %parallel_loop3A_281, %parallel_loop3A_282 : i32
      %parallel_loop3A_284 = arith.index_cast %parallel_loop3A_283 : i32 to index
      %parallel_loop3A_285 = tpu.vector_load %arg13[%parallel_loop3A_284] {strides = array<i32>} : memref<8192xf32, #tpu.memory_space<vmem>>, vector<16xf32>,
      %parallel_loop3A_286 = arith.constant 7 : i32
      %parallel_loop3A_287 = vector.broadcast %parallel_loop3A_286 : i32 to vector<16xi32>
      %parallel_loop3A_288 = arith.cmpi eq, %iota3A, %parallel_loop3A_287 : vector<16xi32>
      %parallel_loop3A_289 = arith.constant true
      %parallel_loop3A_290 = vector.broadcast %parallel_loop3A_289 : i1 to vector<16xi1>
      %parallel_loop3A_291 = tpu.scan <sum>, %parallel_loop3A_285 masked %parallel_loop3A_290 : vector<16xf32>, vector<16xi1> -> vector<16xf32>
      %parallel_loop3A_292 = vector.extract %parallel_loop3A_291[15] : f32 from vector<16xf32>
      %parallel_loop3A_293 = vector.broadcast %parallel_loop3A_292 : f32 to vector<16xf32>
      %parallel_loop3A_294 = arith.select %parallel_loop3A_288, %parallel_loop3A_293, %parallel_loop3A_277 : vector<16xi1>, vector<16xf32>
      %parallel_loop3A_295 = arith.constant 16 : i32
      %parallel_loop3A_296 = arith.muli %parallel_loop3A_156, %parallel_loop3A_295 : i32
      %parallel_loop3A_297 = arith.constant 8 : i32
      %parallel_loop3A_298 = arith.addi %parallel_loop3A_296, %parallel_loop3A_297 : i32
      %parallel_loop3A_299 = arith.constant 16 : i32
      %parallel_loop3A_300 = arith.muli %parallel_loop3A_298, %parallel_loop3A_299 : i32
      %parallel_loop3A_301 = arith.index_cast %parallel_loop3A_300 : i32 to index
      %parallel_loop3A_302 = tpu.vector_load %arg13[%parallel_loop3A_301] {strides = array<i32>} : memref<8192xf32, #tpu.memory_space<vmem>>, vector<16xf32>,
      %parallel_loop3A_303 = arith.constant 8 : i32
      %parallel_loop3A_304 = vector.broadcast %parallel_loop3A_303 : i32 to vector<16xi32>
      %parallel_loop3A_305 = arith.cmpi eq, %iota3A, %parallel_loop3A_304 : vector<16xi32>
      %parallel_loop3A_306 = arith.constant true
      %parallel_loop3A_307 = vector.broadcast %parallel_loop3A_306 : i1 to vector<16xi1>
      %parallel_loop3A_308 = tpu.scan <sum>, %parallel_loop3A_302 masked %parallel_loop3A_307 : vector<16xf32>, vector<16xi1> -> vector<16xf32>
      %parallel_loop3A_309 = vector.extract %parallel_loop3A_308[15] : f32 from vector<16xf32>
      %parallel_loop3A_310 = vector.broadcast %parallel_loop3A_309 : f32 to vector<16xf32>
      %parallel_loop3A_311 = arith.select %parallel_loop3A_305, %parallel_loop3A_310, %parallel_loop3A_294 : vector<16xi1>, vector<16xf32>
      %parallel_loop3A_312 = arith.constant 16 : i32
      %parallel_loop3A_313 = arith.muli %parallel_loop3A_156, %parallel_loop3A_312 : i32
      %parallel_loop3A_314 = arith.constant 9 : i32
      %parallel_loop3A_315 = arith.addi %parallel_loop3A_313, %parallel_loop3A_314 : i32
      %parallel_loop3A_316 = arith.constant 16 : i32
      %parallel_loop3A_317 = arith.muli %parallel_loop3A_315, %parallel_loop3A_316 : i32
      %parallel_loop3A_318 = arith.index_cast %parallel_loop3A_317 : i32 to index
      %parallel_loop3A_319 = tpu.vector_load %arg13[%parallel_loop3A_318] {strides = array<i32>} : memref<8192xf32, #tpu.memory_space<vmem>>, vector<16xf32>,
      %parallel_loop3A_320 = arith.constant 9 : i32
      %parallel_loop3A_321 = vector.broadcast %parallel_loop3A_320 : i32 to vector<16xi32>
      %parallel_loop3A_322 = arith.cmpi eq, %iota3A, %parallel_loop3A_321 : vector<16xi32>
      %parallel_loop3A_323 = arith.constant true
      %parallel_loop3A_324 = vector.broadcast %parallel_loop3A_323 : i1 to vector<16xi1>
      %parallel_loop3A_325 = tpu.scan <sum>, %parallel_loop3A_319 masked %parallel_loop3A_324 : vector<16xf32>, vector<16xi1> -> vector<16xf32>
      %parallel_loop3A_326 = vector.extract %parallel_loop3A_325[15] : f32 from vector<16xf32>
      %parallel_loop3A_327 = vector.broadcast %parallel_loop3A_326 : f32 to vector<16xf32>
      %parallel_loop3A_328 = arith.select %parallel_loop3A_322, %parallel_loop3A_327, %parallel_loop3A_311 : vector<16xi1>, vector<16xf32>
      %parallel_loop3A_329 = arith.constant 16 : i32
      %parallel_loop3A_330 = arith.muli %parallel_loop3A_156, %parallel_loop3A_329 : i32
      %parallel_loop3A_331 = arith.constant 10 : i32
      %parallel_loop3A_332 = arith.addi %parallel_loop3A_330, %parallel_loop3A_331 : i32
      %parallel_loop3A_333 = arith.constant 16 : i32
      %parallel_loop3A_334 = arith.muli %parallel_loop3A_332, %parallel_loop3A_333 : i32
      %parallel_loop3A_335 = arith.index_cast %parallel_loop3A_334 : i32 to index
      %parallel_loop3A_336 = tpu.vector_load %arg13[%parallel_loop3A_335] {strides = array<i32>} : memref<8192xf32, #tpu.memory_space<vmem>>, vector<16xf32>,
      %parallel_loop3A_337 = arith.constant 10 : i32
      %parallel_loop3A_338 = vector.broadcast %parallel_loop3A_337 : i32 to vector<16xi32>
      %parallel_loop3A_339 = arith.cmpi eq, %iota3A, %parallel_loop3A_338 : vector<16xi32>
      %parallel_loop3A_340 = arith.constant true
      %parallel_loop3A_341 = vector.broadcast %parallel_loop3A_340 : i1 to vector<16xi1>
      %parallel_loop3A_342 = tpu.scan <sum>, %parallel_loop3A_336 masked %parallel_loop3A_341 : vector<16xf32>, vector<16xi1> -> vector<16xf32>
      %parallel_loop3A_343 = vector.extract %parallel_loop3A_342[15] : f32 from vector<16xf32>
      %parallel_loop3A_344 = vector.broadcast %parallel_loop3A_343 : f32 to vector<16xf32>
      %parallel_loop3A_345 = arith.select %parallel_loop3A_339, %parallel_loop3A_344, %parallel_loop3A_328 : vector<16xi1>, vector<16xf32>
      %parallel_loop3A_346 = arith.constant 16 : i32
      %parallel_loop3A_347 = arith.muli %parallel_loop3A_156, %parallel_loop3A_346 : i32
      %parallel_loop3A_348 = arith.constant 11 : i32
      %parallel_loop3A_349 = arith.addi %parallel_loop3A_347, %parallel_loop3A_348 : i32
      %parallel_loop3A_350 = arith.constant 16 : i32
      %parallel_loop3A_351 = arith.muli %parallel_loop3A_349, %parallel_loop3A_350 : i32
      %parallel_loop3A_352 = arith.index_cast %parallel_loop3A_351 : i32 to index
      %parallel_loop3A_353 = tpu.vector_load %arg13[%parallel_loop3A_352] {strides = array<i32>} : memref<8192xf32, #tpu.memory_space<vmem>>, vector<16xf32>,
      %parallel_loop3A_354 = arith.constant 11 : i32
      %parallel_loop3A_355 = vector.broadcast %parallel_loop3A_354 : i32 to vector<16xi32>
      %parallel_loop3A_356 = arith.cmpi eq, %iota3A, %parallel_loop3A_355 : vector<16xi32>
      %parallel_loop3A_357 = arith.constant true
      %parallel_loop3A_358 = vector.broadcast %parallel_loop3A_357 : i1 to vector<16xi1>
      %parallel_loop3A_359 = tpu.scan <sum>, %parallel_loop3A_353 masked %parallel_loop3A_358 : vector<16xf32>, vector<16xi1> -> vector<16xf32>
      %parallel_loop3A_360 = vector.extract %parallel_loop3A_359[15] : f32 from vector<16xf32>
      %parallel_loop3A_361 = vector.broadcast %parallel_loop3A_360 : f32 to vector<16xf32>
      %parallel_loop3A_362 = arith.select %parallel_loop3A_356, %parallel_loop3A_361, %parallel_loop3A_345 : vector<16xi1>, vector<16xf32>
      %parallel_loop3A_363 = arith.constant 16 : i32
      %parallel_loop3A_364 = arith.muli %parallel_loop3A_156, %parallel_loop3A_363 : i32
      %parallel_loop3A_365 = arith.constant 12 : i32
      %parallel_loop3A_366 = arith.addi %parallel_loop3A_364, %parallel_loop3A_365 : i32
      %parallel_loop3A_367 = arith.constant 16 : i32
      %parallel_loop3A_368 = arith.muli %parallel_loop3A_366, %parallel_loop3A_367 : i32
      %parallel_loop3A_369 = arith.index_cast %parallel_loop3A_368 : i32 to index
      %parallel_loop3A_370 = tpu.vector_load %arg13[%parallel_loop3A_369] {strides = array<i32>} : memref<8192xf32, #tpu.memory_space<vmem>>, vector<16xf32>,
      %parallel_loop3A_371 = arith.constant 12 : i32
      %parallel_loop3A_372 = vector.broadcast %parallel_loop3A_371 : i32 to vector<16xi32>
      %parallel_loop3A_373 = arith.cmpi eq, %iota3A, %parallel_loop3A_372 : vector<16xi32>
      %parallel_loop3A_374 = arith.constant true
      %parallel_loop3A_375 = vector.broadcast %parallel_loop3A_374 : i1 to vector<16xi1>
      %parallel_loop3A_376 = tpu.scan <sum>, %parallel_loop3A_370 masked %parallel_loop3A_375 : vector<16xf32>, vector<16xi1> -> vector<16xf32>
      %parallel_loop3A_377 = vector.extract %parallel_loop3A_376[15] : f32 from vector<16xf32>
      %parallel_loop3A_378 = vector.broadcast %parallel_loop3A_377 : f32 to vector<16xf32>
      %parallel_loop3A_379 = arith.select %parallel_loop3A_373, %parallel_loop3A_378, %parallel_loop3A_362 : vector<16xi1>, vector<16xf32>
      %parallel_loop3A_380 = arith.constant 16 : i32
      %parallel_loop3A_381 = arith.muli %parallel_loop3A_156, %parallel_loop3A_380 : i32
      %parallel_loop3A_382 = arith.constant 13 : i32
      %parallel_loop3A_383 = arith.addi %parallel_loop3A_381, %parallel_loop3A_382 : i32
      %parallel_loop3A_384 = arith.constant 16 : i32
      %parallel_loop3A_385 = arith.muli %parallel_loop3A_383, %parallel_loop3A_384 : i32
      %parallel_loop3A_386 = arith.index_cast %parallel_loop3A_385 : i32 to index
      %parallel_loop3A_387 = tpu.vector_load %arg13[%parallel_loop3A_386] {strides = array<i32>} : memref<8192xf32, #tpu.memory_space<vmem>>, vector<16xf32>,
      %parallel_loop3A_388 = arith.constant 13 : i32
      %parallel_loop3A_389 = vector.broadcast %parallel_loop3A_388 : i32 to vector<16xi32>
      %parallel_loop3A_390 = arith.cmpi eq, %iota3A, %parallel_loop3A_389 : vector<16xi32>
      %parallel_loop3A_391 = arith.constant true
      %parallel_loop3A_392 = vector.broadcast %parallel_loop3A_391 : i1 to vector<16xi1>
      %parallel_loop3A_393 = tpu.scan <sum>, %parallel_loop3A_387 masked %parallel_loop3A_392 : vector<16xf32>, vector<16xi1> -> vector<16xf32>
      %parallel_loop3A_394 = vector.extract %parallel_loop3A_393[15] : f32 from vector<16xf32>
      %parallel_loop3A_395 = vector.broadcast %parallel_loop3A_394 : f32 to vector<16xf32>
      %parallel_loop3A_396 = arith.select %parallel_loop3A_390, %parallel_loop3A_395, %parallel_loop3A_379 : vector<16xi1>, vector<16xf32>
      %parallel_loop3A_397 = arith.constant 16 : i32
      %parallel_loop3A_398 = arith.muli %parallel_loop3A_156, %parallel_loop3A_397 : i32
      %parallel_loop3A_399 = arith.constant 14 : i32
      %parallel_loop3A_400 = arith.addi %parallel_loop3A_398, %parallel_loop3A_399 : i32
      %parallel_loop3A_401 = arith.constant 16 : i32
      %parallel_loop3A_402 = arith.muli %parallel_loop3A_400, %parallel_loop3A_401 : i32
      %parallel_loop3A_403 = arith.index_cast %parallel_loop3A_402 : i32 to index
      %parallel_loop3A_404 = tpu.vector_load %arg13[%parallel_loop3A_403] {strides = array<i32>} : memref<8192xf32, #tpu.memory_space<vmem>>, vector<16xf32>,
      %parallel_loop3A_405 = arith.constant 14 : i32
      %parallel_loop3A_406 = vector.broadcast %parallel_loop3A_405 : i32 to vector<16xi32>
      %parallel_loop3A_407 = arith.cmpi eq, %iota3A, %parallel_loop3A_406 : vector<16xi32>
      %parallel_loop3A_408 = arith.constant true
      %parallel_loop3A_409 = vector.broadcast %parallel_loop3A_408 : i1 to vector<16xi1>
      %parallel_loop3A_410 = tpu.scan <sum>, %parallel_loop3A_404 masked %parallel_loop3A_409 : vector<16xf32>, vector<16xi1> -> vector<16xf32>
      %parallel_loop3A_411 = vector.extract %parallel_loop3A_410[15] : f32 from vector<16xf32>
      %parallel_loop3A_412 = vector.broadcast %parallel_loop3A_411 : f32 to vector<16xf32>
      %parallel_loop3A_413 = arith.select %parallel_loop3A_407, %parallel_loop3A_412, %parallel_loop3A_396 : vector<16xi1>, vector<16xf32>
      %parallel_loop3A_414 = arith.constant 16 : i32
      %parallel_loop3A_415 = arith.muli %parallel_loop3A_156, %parallel_loop3A_414 : i32
      %parallel_loop3A_416 = arith.constant 15 : i32
      %parallel_loop3A_417 = arith.addi %parallel_loop3A_415, %parallel_loop3A_416 : i32
      %parallel_loop3A_418 = arith.constant 16 : i32
      %parallel_loop3A_419 = arith.muli %parallel_loop3A_417, %parallel_loop3A_418 : i32
      %parallel_loop3A_420 = arith.index_cast %parallel_loop3A_419 : i32 to index
      %parallel_loop3A_421 = tpu.vector_load %arg13[%parallel_loop3A_420] {strides = array<i32>} : memref<8192xf32, #tpu.memory_space<vmem>>, vector<16xf32>,
      %parallel_loop3A_422 = arith.constant 15 : i32
      %parallel_loop3A_423 = vector.broadcast %parallel_loop3A_422 : i32 to vector<16xi32>
      %parallel_loop3A_424 = arith.cmpi eq, %iota3A, %parallel_loop3A_423 : vector<16xi32>
      %parallel_loop3A_425 = arith.constant true
      %parallel_loop3A_426 = vector.broadcast %parallel_loop3A_425 : i1 to vector<16xi1>
      %parallel_loop3A_427 = tpu.scan <sum>, %parallel_loop3A_421 masked %parallel_loop3A_426 : vector<16xf32>, vector<16xi1> -> vector<16xf32>
      %parallel_loop3A_428 = vector.extract %parallel_loop3A_427[15] : f32 from vector<16xf32>
      %parallel_loop3A_429 = vector.broadcast %parallel_loop3A_428 : f32 to vector<16xf32>
      %parallel_loop3A_430 = arith.select %parallel_loop3A_424, %parallel_loop3A_429, %parallel_loop3A_413 : vector<16xi1>, vector<16xf32>
      %parallel_loop3A_431 = vector.bitcast %parallel_loop3A_430 : vector<16xf32> to vector<16xi32>
      %parallel_loop3A_432 = arith.constant 1 : i32
      %parallel_loop3A_433 = vector.broadcast %parallel_loop3A_432 : i32 to vector<16xi32>
      %parallel_loop3A_434 = arith.shrsi %parallel_loop3A_431, %parallel_loop3A_433 : vector<16xi32>
      %parallel_loop3A_435 = arith.constant 1597463007 : i32
      %parallel_loop3A_436 = vector.broadcast %parallel_loop3A_435 : i32 to vector<16xi32>
      %parallel_loop3A_437 = arith.subi %parallel_loop3A_436, %parallel_loop3A_434 : vector<16xi32>
      %parallel_loop3A_438 = vector.bitcast %parallel_loop3A_437 : vector<16xi32> to vector<16xf32>
      %parallel_loop3A_439 = arith.constant 5.000000e-01 : f32
      %parallel_loop3A_440 = vector.broadcast %parallel_loop3A_439 : f32 to vector<16xf32>
      %parallel_loop3A_441 = arith.mulf %parallel_loop3A_440, %parallel_loop3A_430 : vector<16xf32>
      %parallel_loop3A_442 = arith.mulf %parallel_loop3A_441, %parallel_loop3A_438 : vector<16xf32>
      %parallel_loop3A_443 = arith.mulf %parallel_loop3A_442, %parallel_loop3A_438 : vector<16xf32>
      %parallel_loop3A_444 = arith.constant 1.500000e+00 : f32
      %parallel_loop3A_445 = vector.broadcast %parallel_loop3A_444 : f32 to vector<16xf32>
      %parallel_loop3A_446 = arith.subf %parallel_loop3A_445, %parallel_loop3A_443 : vector<16xf32>
      %parallel_loop3A_447 = arith.mulf %parallel_loop3A_438, %parallel_loop3A_446 : vector<16xf32>
      %parallel_loop3A_448 = arith.mulf %parallel_loop3A_441, %parallel_loop3A_447 : vector<16xf32>
      %parallel_loop3A_449 = arith.mulf %parallel_loop3A_448, %parallel_loop3A_447 : vector<16xf32>
      %parallel_loop3A_450 = arith.constant 1.500000e+00 : f32
      %parallel_loop3A_451 = vector.broadcast %parallel_loop3A_450 : f32 to vector<16xf32>
      %parallel_loop3A_452 = arith.subf %parallel_loop3A_451, %parallel_loop3A_449 : vector<16xf32>
      %parallel_loop3A_453 = arith.mulf %parallel_loop3A_447, %parallel_loop3A_452 : vector<16xf32>
      %parallel_loop3A_454 = arith.mulf %parallel_loop3A_441, %parallel_loop3A_453 : vector<16xf32>
      %parallel_loop3A_455 = arith.mulf %parallel_loop3A_454, %parallel_loop3A_453 : vector<16xf32>
      %parallel_loop3A_456 = arith.constant 1.500000e+00 : f32
      %parallel_loop3A_457 = vector.broadcast %parallel_loop3A_456 : f32 to vector<16xf32>
      %parallel_loop3A_458 = arith.subf %parallel_loop3A_457, %parallel_loop3A_455 : vector<16xf32>
      %parallel_loop3A_459 = arith.mulf %parallel_loop3A_453, %parallel_loop3A_458 : vector<16xf32>
      %parallel_loop3A_460 = arith.mulf %parallel_loop3A_430, %parallel_loop3A_459 : vector<16xf32>
      %parallel_loop3A_461 = arith.constant 0.000000e+00 : f32
      %parallel_loop3A_462 = vector.broadcast %parallel_loop3A_461 : f32 to vector<16xf32>
      %parallel_loop3A_463 = arith.subf %parallel_loop3A_462, %parallel_loop3A_460 : vector<16xf32>
      %parallel_loop3A_464 = arith.constant 16 : i32
      %parallel_loop3A_465 = arith.muli %parallel_loop3A_156, %parallel_loop3A_464 : i32
      %parallel_loop3A_466 = arith.index_cast %parallel_loop3A_465 : i32 to index
      %parallel_loop3A_467 = tpu.vector_load %arg14[%parallel_loop3A_466] {strides = array<i32>} : memref<512xf32, #tpu.memory_space<vmem>>, vector<16xf32>,
      tpu.vector_store %arg14[%parallel_loop3A_466], %parallel_loop3A_463 {strides = array<i32>} : memref<512xf32, #tpu.memory_space<vmem>>, vector<16xf32>,
    } {sc.loop_unroll_factor = 1 : i64, sc.parallel_access}
    "tpu.region"() ({
      %run_scoped3A = tpu.sem_alloc : memref<!tpu.dma_semaphore, #tpu.memory_space<semaphore_mem>>
      %dma_start3A_156 = tpu.memref_slice %arg7[%mul3A_2] : memref<16384xf32, #tpu.memory_space<hbm>> -> memref<512xf32, #tpu.memory_space<hbm>>
      %dma_start3A_157 = tpu.memref_slice %arg7[%mul3A_2] : memref<16384xf32, #tpu.memory_space<hbm>> -> memref<512xf32, #tpu.memory_space<hbm>>
      tpu.enqueue_dma source(%arg14 : memref<512xf32, #tpu.memory_space<vmem>>) target(%dma_start3A_157 : memref<512xf32, #tpu.memory_space<hbm>>) target_semaphore(%run_scoped3A : memref<!tpu.dma_semaphore, #tpu.memory_space<semaphore_mem>>)
      %dma_wait3A_158 = tpu.memref_slice %arg7[%mul3A_2] : memref<16384xf32, #tpu.memory_space<hbm>> -> memref<512xf32, #tpu.memory_space<hbm>>
      %dma_wait3A_159 = tpu.memref_slice %arg7[%mul3A_2] : memref<16384xf32, #tpu.memory_space<hbm>> -> memref<512xf32, #tpu.memory_space<hbm>>
      tpu.wait_dma2 semaphore(%run_scoped3A : memref<!tpu.dma_semaphore, #tpu.memory_space<semaphore_mem>>) src(%arg14 : memref<512xf32, #tpu.memory_space<vmem>>) dst(%dma_wait3A_159 : memref<512xf32, #tpu.memory_space<hbm>>)
      tpu.yield
    }) : () -> ()
    return
  }
}

</mosaic_0001>

<sc_bundles>
// kernel: kernel.3.cloned.1.call-start
scs
__scs_entry_jumppad:
0x0: {  	(pc) =	sbr.rel $0x88, $3  }
0x1: {  	(tag) =	ssettag $0x0;
	lr =	simm.s32 $0x1  }
0x2: {  	[smem:$0x3F9C] =	sst lr;
	_ =	strace $0xD0000000  }
0x3: {  	_ = 	snop  }
0x4: {  	_ = 	snop  }
0x5: {  	_ = 	snop  }
0x6: {  	_ = 	snop  }
0x7: {  	_ = 	snop  }
__scs_overlays_trampoline_lowered:
0x8: {  	[smem:$0x3FAB] =	sst s0  }
0x9: {  	[smem:$0x3FAC] =	sst s1  }
0xa: {  	[smem:$0x3FAD] =	sst s2  }
0xb: {  	[smem:$0x3FAE] =	sst s3  }
0xc: {  	[smem:$0x3FAF] =	sst s4  }
0xd: {  	[smem:$0x3FB0] =	sst s5  }
0xe: {  	[smem:$0x3FB1] =	sst s6  }
0xf: {  	[smem:$0x3FB2] =	sst s7  }
0x10: {  	[smem:$0x3FB3] =	sst s8  }
0x11: {  	[smem:$0x3FB4] =	sst s9;
	s0 =	simm.s32 @!p0 $0x0  }
0x12: {  	s1 =	sld [smem:$0x3F9A];
	s0 =	simm.s32 @p0 $0x1  }
0x13: {  	[smem:$0x3FB5] =	sst s0;
	s0 =	simm.s32 @!p1 $0x0  }
0x14: {  	s2 =	sld [smem:$0x3F99];
	s0 =	simm.s32 @p1 $0x1  }
0x15: {  	[smem:$0x3FB6] =	sst s0;
	s0 =	simm.s32 @!p2 $0x0  }
0x16: {  	s3 =	sld [smem:$0x3FDB];
	s0 =	simm.s32 @p2 $0x1  }
0x17: {  	s4 =	simm.s32 $0x1BF5;
	[smem:$0x3FB8] =	sst s0  }
0x18: {  	s0 =	sld [smem:$0x3F9B];
	_ =	swait.ge [sflag:s4], $0x0  }
0x19: {  	s7 =	sld [smem:$0x3F9C]  }
0x1a: {  	s8 =	sadd.s32 $0xFFFFE003, lr  }
0x1b: {  	s9 =	sadd.s32 $0xFFFFFEF7, lr;
	s5 =	simm.s32 $0xFFFFFFFF;
	p2 =	slt.u32 s8, $0xFFFFF086  }
0x1c: {  	p1 =	slt.u32 s9, $0xF7A;
	s5 =	simm.s32 @!p2 $0x0  }
0x1d: {  	s5 =	simm.s32 @p1 $0x1;
	p0 =	seq.s32 s7, s2  }
0x1e: {  	s7 =	smul.u32 @!p0 $0xF7A, s2;
	p2 =	seq.s32 @!p0 s5, $0x0  }
0x1f: {  	s9 =	smul.u32 $0xF7A, s1;
	s8 =	simm.s32 @!p0 $0x1BF5;
	p2 =	por !p2, p0  }
0x20: {  	[sflag:s8] =	ssyncset.s32 @!p0 $0xFFFFF086;
	s6 =	sadd.s32 @!p0 s3, s7;
	s7 =	simm.s32 @!p0 $0x108  }
0x21: {  	s3 =	sadd.s32 s3, s9;
	s6 =	sadd.s32 @!p0 $0x88, s6;
	s7 =	simm.s32 @p2 $0x1082  }
0x22: {  	[simem:s7], [sflag:s8] =	dma.local @!p0 [hbm:s6], $0xF7A  }
0x23: {  	s9 =	sor.u32 $0xD0000000, s2;
	s6 =	simm.s32 $0x108;
	_ =	swait.ge @!p0 [sflag:s8], $0x0  }
0x24: {  	s3 =	sadd.s32 $0x88, s3;
	s6 =	simm.s32 @!p1 $0x1082;
	[sflag:s4] =	ssyncset.s32 $0xFFFFF086  }
0x25: {  	[simem:s6], [sflag:s4] =	dma.local [hbm:s3], $0xF7A  }
0x26: {  	[smem:$0x3F9C] =	sst s1;
	(tag) =	ssettag s2;
	_ =	strace s9  }
0x27: {  	s1 =	sld [smem:$0x3FAC]  }
0x28: {  	s2 =	sld [smem:$0x3FAD]  }
0x29: {  	s4 =	sld [smem:$0x3FAF]  }
0x2a: {  	p0 =	seq.s32 s5, $0x0;
	s5 =	sld [smem:$0x3FB0]  }
0x2b: {  	s6 =	sld [smem:$0x3FB1]  }
0x2c: {  	s7 =	sld [smem:$0x3FB2]  }
0x2d: {  	s3 =	simm.s32 $0x108;
	s8 =	sld [smem:$0x3FB3]  }
0x2e: {  	s3 =	simm.s32 @!p0 $0x1082;
	s9 =	sld [smem:$0x3FB4]  }
0x2f: {  	lr =	sadd.s32 s0, s3;
	s0 =	sld [smem:$0x3FAB]  }
0x30: {  	s3 =	sld [smem:$0x3FAE]  }
0x31: {  	[smem:$0x3FB7] =	sst s10  }
0x32: {  	s10 =	sld [smem:$0x3FB5];
	_ =	sdelay $0x3  }
0x33: {  	p0 =	seq.s32 s10, $0x1;
	s10 =	sld [smem:$0x3FB7];
	_ =	sdelay $0x3  }
0x34: {  	[smem:$0x3FB7] =	sst s10  }
0x35: {  	s10 =	sld [smem:$0x3FB6];
	_ =	sdelay $0x3  }
0x36: {  	p1 =	seq.s32 s10, $0x1;
	s10 =	sld [smem:$0x3FB7];
	_ =	sdelay $0x3  }
0x37: {  	[smem:$0x3FB7] =	sst s10  }
0x38: {  	s10 =	sld [smem:$0x3FB8]  }
0x39: {  	_ = 	snop;
	(pc) =	sbr.ind lr, $3  }
0x3a: {  	_ = 	snop  }
0x3b: {  	_ = 	snop  }
0x3c: {  	p2 =	seq.s32 s10, $0x1;
	s10 =	sld [smem:$0x3FB7]  }
0x3d: {  	_ =	shalt  }
0x3e: {  	_ =	shalt  }
0x3f: {  	_ =	shalt  }
0x40: {  	_ =	shalt  }
0x41: {  	_ =	shalt  }
0x42: {  	_ =	shalt  }
0x43: {  	_ =	shalt  }
0x44: {  	_ =	shalt  }
0x45: {  	_ =	shalt  }
0x46: {  	_ =	shalt  }
0x47: {  	_ =	shalt  }
0x48: {  	_ =	shalt  }
0x49: {  	_ =	shalt  }
0x4a: {  	_ =	shalt  }
0x4b: {  	_ =	shalt  }
0x4c: {  	_ =	shalt  }
0x4d: {  	_ =	shalt  }
0x4e: {  	_ =	shalt  }
0x4f: {  	_ =	shalt  }
0x50: {  	_ =	shalt  }
0x51: {  	_ =	shalt  }
0x52: {  	_ =	shalt  }
0x53: {  	_ =	shalt  }
0x54: {  	_ =	shalt  }
0x55: {  	_ =	shalt  }
0x56: {  	_ =	shalt  }
0x57: {  	_ =	shalt  }
0x58: {  	_ =	shalt  }
0x59: {  	_ =	shalt  }
0x5a: {  	_ =	shalt  }
0x5b: {  	_ =	shalt  }
0x5c: {  	_ =	shalt  }
0x5d: {  	_ =	shalt  }
0x5e: {  	_ =	shalt  }
0x5f: {  	_ =	shalt  }
0x60: {  	_ =	shalt  }
0x61: {  	_ =	shalt  }
0x62: {  	_ =	shalt  }
0x63: {  	_ =	shalt  }
0x64: {  	_ =	shalt  }
0x65: {  	_ =	shalt  }
0x66: {  	_ =	shalt  }
0x67: {  	_ =	shalt  }
0x68: {  	_ =	shalt  }
0x69: {  	_ =	shalt  }
0x6a: {  	_ =	shalt  }
0x6b: {  	_ =	shalt  }
0x6c: {  	_ =	shalt  }
0x6d: {  	_ =	shalt  }
0x6e: {  	_ =	shalt  }
0x6f: {  	_ =	shalt  }
0x70: {  	_ =	shalt  }
0x71: {  	_ =	shalt  }
0x72: {  	_ =	shalt  }
0x73: {  	_ =	shalt  }
0x74: {  	_ =	shalt  }
0x75: {  	_ =	shalt  }
0x76: {  	_ =	shalt  }
0x77: {  	_ =	shalt  }
0x78: {  	_ =	shalt  }
0x79: {  	_ =	shalt  }
0x7a: {  	_ =	shalt  }
0x7b: {  	_ =	shalt  }
0x7c: {  	_ =	shalt  }
0x7d: {  	_ =	shalt  }
0x7e: {  	_ =	shalt  }
0x7f: {  	_ =	shalt  }
0x80: {  	_ =	shalt  }
0x81: {  	_ =	shalt  }
0x82: {  	_ =	shalt  }
0x83: {  	_ =	shalt  }
0x84: {  	_ =	shalt  }
0x85: {  	_ =	shalt  }
0x86: {  	_ =	shalt  }
0x87: {  	_ =	shalt  }
.Lfunc_end0:
.L_simem_size_0:
called_computation_lowered:
.L_overlay_start_0:
0x88: {  	s2 =	sld [smem:$0x3FD9]  }
0x89: {  	s3 =	sld [smem:$0x3FFE];
	_ =	sdelay $0x1  }
0x8a: {  	s1 =	srdreg.scid  }
0x8b: {  	s0 =	sand.u32 $0x1, s1  }
0x8c: {  	s18 =	sshll.u32 s0, $0xA;
	s2 =	sadd.s32 s3, s2  }
0x8d: {  	s2 =	sadd.s32 s2, s18  }
0x8e: {  	[smem:$0x3FC3] =	sst s2  }
0x8f: {  	_ = 	snop  }
0x90: {  	s2 =	sld [smem:$0x3FC9]  }
0x91: {  	s19 =	sld [smem:$0x3FC8]  }
0x92: {  	s4 =	sld [smem:$0x3FC7]  }
0x93: {  	s5 =	sld [smem:$0x3FC6]  }
0x94: {  	s6 =	sld [smem:$0x3FC5]  }
0x95: {  	s7 =	sld [smem:$0x3FD0];
	(tm) =	ssettm $0x1  }
0x96: {  	s8 =	sld [smem:$0x3FFB];
	_ =	sdelay $0x3  }
0x97: {  	_ =	strace s8  }
0x98: {  	s8 =	sld [smem:$0x3FFC];
	_ =	sdelay $0x3  }
0x99: {  	_ =	strace s8  }
0x9a: {  	s8 =	sld [smem:$0x3FFD];
	_ =	sdelay $0x3  }
0x9b: {  	_ =	strace s8  }
0x9c: {  	_ =	strace $0x8FFFFFFF  }
0x9d: {  	s20 =	sld [smem:$0x3FDB];
	_ =	sdelay $0x1  }
0x9e: {  	s9 =	simm.s32 $_scs_section_size  }
0x9f: {  	s10 =	simm.s32 $_size__tile_overlayer_lowered;
	s11 =	simm.s32 $_tile_overlayer_lowered  }
0xa0: {  	s23 =	simm.s32 $0x1BFF;
	s22 =	sshll.u32 s11, $0x1;
	s8 =	sadd.s32 s9, s20  }
0xa1: {  	s12 =	simm.s32 $0x0;
	s21 =	sshll.u32 s10, $0x1;
	s10 =	sadd.s32 s22, s8  }
0xa2: {  	[timem:s12], [sflag:s23] =	dma.local [hbm:s10], s21  }
0xa3: {  	_ =	swait.ge [sflag:s23], s21  }
0xa4: {  	s9 =	ssub.s32 $0x0, s21;
	[sflag:s23] =	ssyncset.done $0x0  }
0xa5: {  	[sflag:s23] =	ssyncadd.s32 s9;
	_ =	sdelay $0x1  }
0xa6: {  	s24 =	simm.s32 $0x1B8B  }
0xa7: {  	_ =	swait.ge [sflag:s24], $0x1  }
0xa8: {  	[sflag:s24] =	ssyncset.done $0x0  }
0xa9: {  	s25 =	simm.s32 $0x1B8E;
	[sflag:s24] =	ssyncadd.s32 $0xFFFFFFFF  }
0xaa: {  	s26 =	simm.s32 $execute0_lowered;
	[smem:$0x3FD2] =	sst s25  }
0xab: {  	s9 =	sshll.u32 s26, $0x1;
	_ =	strace $0x80000046;
	[dreg:$0x1] =	wrdreg $0xFFFFFFFF  }
0xac: {  	s28 =	simm.s32 $_size_execute0_lowered;
	s8 =	sadd.s32 s8, s9;
	[dreg:$0x0] =	wrdreg $0x0  }
0xad: {  	s9 =	sshll.u32 s28, $0x1;
	[dreg:$0x2] =	wrdreg s8  }
0xae: {  	[dreg:$0x3] =	wrdreg s9  }
0xaf: {  	[dreg:$0x4] =	wrdreg $0xC0  }
0xb0: {  	_ =	task [dreg:s12], $0x5FFFF  }
0xb1: {  	[dreg:$0x1] =	wrdreg $0xFFFFFFFF  }
0xb2: {  	[dreg:$0x0] =	wrdreg $0x60  }
0xb3: {  	[dreg:$0x2] =	wrdreg s2  }
0xb4: {  	[dreg:$0x3] =	wrdreg s19  }
0xb5: {  	[dreg:$0x4] =	wrdreg s4  }
0xb6: {  	[dreg:$0x5] =	wrdreg s5  }
0xb7: {  	[dreg:$0x6] =	wrdreg s6  }
0xb8: {  	[dreg:$0x7] =	wrdreg s7  }
0xb9: {  	[dreg:$0x8] =	wrdreg $0x168000  }
0xba: {  	[dreg:$0x9] =	wrdreg $0x9  }
0xbb: {  	_ =	task.clear_ibuf [dreg:s12], $0xAFFFF;
	_ =	strace $0x90000046  }
0xbc: {  	s29 =	simm.s32 $0x9;
	_ =	strace $0x80000048  }
0xbd: {  	_ =	swait.ge [sflag:s29], $0x1  }
0xbe: {  	[sflag:s29] =	ssyncadd.s32 $0xFFFFFFFF  }
0xbf: {  	_ =	strace $0x90000048  }
0xc0: {  	_ =	sfence  }
0xc1: {  	s30 =	sld [smem:$0x0];
	_ =	sdelay $0x2  }
0xc2: {  	s31 =	sshll.u32 s1, $0xD;
	s1 =	sshrl.u32 s1, $0x2  }
0xc3: {  	s3 =	sand.u32 $0x4000, s31;
	s1 =	sadd.s32 s1, s30  }
0xc4: {  	s0 =	sor.u32 s3, s0;
	s1 =	sshll.u32 s1, $0x11  }
0xc5: {  	s0 =	sor.u32 s1, s0  }
0xc6: {  	s0 =	sadd.s32 $0x8F2B, s0  }
0xc7: {  	[sflag:s0] =	ssyncadd.remote.s32 $0x1  }
0xc8: {  	_ =	sfence.sel $0xFFFF  }
0xc9: {  	[dreg:$0x0] =	wrdreg $0xFFFFFFFF;
	(pc) =	sbr.abs _section_cstart, $3  }
0xca: {  	[dreg:$0x1] =	wrdreg $0xFFFFFFFF  }
0xcb: {  	_ =	task.clear_ibuf [dreg:s12], $0x2FFFF;
	_ =	strace $0x9FFFFFFF  }
0xcc: {  	(tm) =	ssettm $0x7FFFFFFF  }
0xcd: {  	_ =	shalt  }
tec
execute0_lowered:
.L_overlay_start_1:
0x0: {  	(tag) =	ssettag $0x1  }
0x1: {  	s0 =	rddreg [dreg:$0x0]  }
0x2: {  	s2 =	rddreg [dreg:$0x1]  }
0x3: {  	s7 =	rddreg [dreg:$0x2]  }
0x4: {  	s1 =	rddreg [dreg:$0x3]  }
0x5: {  	s8 =	rddreg [dreg:$0x5]  }
0x6: {  	s3 =	rddreg [dreg:$0x6];
	s5 =	srdreg.scid;
	s4 =	simm.s32 $0x0  }
0x7: {  	s9 =	stileid.u32;
	s12 =	simm.s32 $0x400;
	s13 =	simm.s32 $0x10  }
0x8: {  	s14 =	simm.s32 $0x40;
	s15 =	simm.s32 $0x600;
	s24 =	simm.s32 $0xC0  }
0x9: {  	s25 =	simm.s32 $0x6600;
	s26 =	simm.s32 $0x4C0;
	s28 =	simm.s32 $0x10600  }
0xa: {  	s29 =	simm.s32 $0x1;
	s30 =	simm.s32 $0x16600;
	s31 =	simm.s32 $0x11  }
0xb: {  	s5 =	sand.u32 $0x1, s5;
	s10 =	sshll.u32 s9, $0x7;
	[smem:$0x7FF] =	sst s4  }
0xc: {  	vm0 =	vmmov $0x1;
	vm1 =	vmmov $0x3;
	vm2 =	vmmov $0x7;
	p0 =	sne.s32 s9, $0x0;
	s6 =	ssub.s32 $0x2, s5;
	s5 =	sshll.u32 s5, $0x6  }
0xd: {  	vm3 =	vmmov $0xf;
	vm4 =	vmmov $0x1f;
	vm5 =	vmmov $0x3f;
	_ =	strace $0x80000047;
	s11 =	sshrl.u32 s6, $0x1;
	s10 =	sor.u32 s5, s10  }
0xe: {  	vm6 =	vmmov $0x7f;
	vm7 =	vmmov $0xff;
	vm8 =	vmmov $0x1ff;
	s11 =	ssub.s32 s6, s11;
	s5 =	sadd.s32 s0, s10;
	s6 =	sadd.s32 s2, s10  }
0xf: {  	vm9 =	vmmov $0x3ff;
	vm10 =	vmmov $0x7ff;
	vm11 =	vmmov $0xfff;
	s7 =	sadd.s32 s7, s10;
	s8 =	sadd.s32 s8, s10;
	s10 =	sshrl.u32 @!p0 s3, $0x3  }
0x10: {  	vm12 =	vmmov $0x1fff;
	vm13 =	vmmov $0x3fff;
	vm14 =	vmmov $0x7fff;
	s0 =	simm.s32 $0x0;
	s9 =	smax.u32 s11, $0x1;
	s11 =	simm.s32 $0x200  }
.LBB2_1:
0x11: {  	s2 =	simm.s32 @!p0 $0x1C10;
	s16 =	rddreg [dreg:$0x4]  }
0x12: {  	[spmem:s10], [sflag:s2] =	dma.local @!p0 [hbm:s16], $0x3E80  }
0x13: {  	[tilespmem:s4], [sflag:$0x10] =	stream.linear.gather [hbm4b:s5+s4], $0x200, $0x38;
	[tilespmem:$0x18740] =	vst v63  }
0x14: {  	_ = 	snop  }
0x15: {  	[tilespmem:s11], [sflag:$0x10] =	stream.linear.gather [hbm4b:s6+s4], $0x200, $0x38;
	[tilespmem:$0x18740] =	vst v63  }
0x16: {  	_ = 	snop  }
0x17: {  	[tilespmem:s12], [sflag:$0x10] =	stream.linear.gather [hbm4b:s7+s4], $0x200, $0x38;
	[tilespmem:$0x18740] =	vst v63  }
0x18: {  	_ =	swait.ge [sflag:s13], $0x200  }
0x19: {  	[sflag:s13] =	ssyncset.done $0x0  }
0x1a: {  	[sflag:s13] =	ssyncadd.s32 $0xFFFFFE00  }
0x1b: {  	_ =	swait.ge [sflag:s13], $0x200  }
0x1c: {  	[sflag:s13] =	ssyncset.done $0x0  }
0x1d: {  	[sflag:s13] =	ssyncadd.s32 $0xFFFFFE00  }
0x1e: {  	_ =	swait.ge [sflag:s13], $0x200  }
0x1f: {  	[sflag:s13] =	ssyncset.done $0x0  }
0x20: {  	[sflag:s13] =	ssyncadd.s32 $0xFFFFFE00  }
0x21: {  	[tilespmem:s15], [sflag:$0x1] =	stream.indirect.gather [hbm4b:s1+s14], $0x80, s4, s14, $0xb8;
	[tilespmem:$0x18740] =	vst v63  }
0x22: {  	s16 =	simm.s32 $0xA600  }
0x23: {  	[tilespmem:s16], [sflag:$0x6] =	stream.indirect.gather [hbm4b:s1+s14], $0x80, s12, s14, $0xb8;
	[tilespmem:$0x18740] =	vst v63  }
0x24: {  	s17 =	simm.s32 $0x2600  }
0x25: {  	[tilespmem:s17], [sflag:$0x2] =	stream.indirect.gather [hbm4b:s1+s14], $0x80, s14, s14, $0xb8;
	[tilespmem:$0x18740] =	vst v63  }
0x26: {  	s18 =	simm.s32 $0x440;
	s19 =	simm.s32 $0xC600  }
0x27: {  	[tilespmem:s19], [sflag:$0x7] =	stream.indirect.gather [hbm4b:s1+s14], $0x80, s18, s14, $0xb8;
	[tilespmem:$0x18740] =	vst v63  }
0x28: {  	s20 =	simm.s32 $0x80;
	s21 =	simm.s32 $0x4600  }
0x29: {  	[tilespmem:s21], [sflag:$0x3] =	stream.indirect.gather [hbm4b:s1+s14], $0x80, s20, s14, $0xb8;
	[tilespmem:$0x18740] =	vst v63  }
0x2a: {  	s22 =	simm.s32 $0x480;
	s23 =	simm.s32 $0xE600  }
0x2b: {  	[tilespmem:s23], [sflag:$0x8] =	stream.indirect.gather [hbm4b:s1+s14], $0x80, s22, s14, $0xb8;
	[tilespmem:$0x18740] =	vst v63  }
0x2c: {  	_ = 	snop  }
0x2d: {  	[tilespmem:s25], [sflag:$0x4] =	stream.indirect.gather [hbm4b:s1+s14], $0x80, s24, s14, $0xb8;
	[tilespmem:$0x18740] =	vst v63  }
0x2e: {  	s2 =	simm.s32 @!p0 $0x10  }
0x2f: {  	[tilespmem:s28], [sflag:$0x9] =	stream.indirect.gather [hbm4b:s1+s14], $0x80, s26, s14, $0xb8;
	[tilespmem:$0x18740] =	vst v63  }
0x30: {  	_ =	swait.ge @!p0 [sflag:s2], $0x3E80  }
0x31: {  	[sflag:s2] =	ssyncset.done @!p0 $0x0  }
0x32: {  	[sflag:s2] =	ssyncadd.s32 @!p0 $0xFFFFC180  }
0x33: {  	[bflag:$0x0] =	sbarrier.arrive $0xFFFF  }
0x34: {  	_ =	swait.ge [sflag:s29], $0x2000  }
0x35: {  	[sflag:s29] =	ssyncset.done $0x0  }
0x36: {  	s17 =	simm.s32 $0x0;
	[sflag:s29] =	ssyncadd.s32 $0xFFFFE000  }
0x37: {  	[tilespmem:s15], [sflag:$0xB] =	stream.indirect.gather.add.f32 [spmem:s3], $0x80, s11, s14, $0xb8;
	[tilespmem:$0x18740] =	vst v63  }
.LBB2_3:
0x38: {  	p1 =	sgt.u32 s17, $0x3  }
.Ltmp0:
0x39: {  	_ = 	snop;
	(pc) =	sbr.rel @p1 .LBB2_5-.Ltmp0, $1  }
0x3a: {  	_ =	sdelay $0x3  }
0x3b: {  	s2 =	sadd.s32 $0xFFFFFFFF, s17;
	p1 =	seq.s32 s17, $0x0  }
0x3c: {  	s2 =	simm.s32 @p1 $0x4  }
.Ltmp1:
0x3d: {  	s16 =	sshll.u32 s17, $0x6;
	s18 =	sshll.u32 s2, $0xD;
	(pc) =	sbr.rel .LBB2_6-.Ltmp1, $4  }
0x3e: {  	s19 =	sor.u32 $0x100, s16;
	s21 =	sadd.s32 $0x1, s2;
	s20 =	sor.u32 $0x600, s18  }
0x3f: {  	[tilespmem:s20], [sflag:s21] =	stream.indirect.gather [hbm4b:s1+s14], $0x80, s19, s14, $0xb8;
	[tilespmem:$0x18740] =	vst v63  }
0x40: {  	s16 =	sadd.s32 $0x500, s16;
	s2 =	sadd.s32 $0x6, s2;
	s18 =	sadd.s32 $0xA600, s18  }
0x41: {  	[tilespmem:s18], [sflag:s2] =	stream.indirect.gather [hbm4b:s1+s14], $0x80, s16, s14, $0xb8;
	[tilespmem:$0x18740] =	vst v63  }
.LBB2_5:
0x42: {  	p1 =	seq.s32 s17, $0x7  }
.Ltmp2:
0x43: {  	_ = 	snop;
	(pc) =	sbr.rel @p1 .LBB2_7-.Ltmp2, $2  }
0x44: {  	_ =	sdelay $0x2  }
0x45: {  	s16 =	simm.s32 $0x8  }
.LBB2_6:
0x46: {  	p1 =	slt.u32 s17, $0x4;
	s16 =	sadd.s32 $0x1, s17;
	s2 =	sadd.s32 $0xFFFFFFFC, s17  }
0x47: {  	s2 =	smov.u32 @p1 s16  }
0x48: {  	s20 =	sshll.u32 s16, $0x6;
	s18 =	sadd.s32 $0x1, s2  }
0x49: {  	s19 =	sshll.u32 s2, $0xD;
	s23 =	sand.u32 $0x3FFFFFC0, s20;
	_ =	swait.ge [sflag:s18], $0x2000  }
0x4a: {  	s2 =	sadd.s32 $0xB, s2;
	s22 =	sand.u32 $0x3FFFE000, s19;
	[sflag:s18] =	ssyncset.done $0x0  }
0x4b: {  	s19 =	sadd.s32 $0x200, s23;
	[sflag:s18] =	ssyncadd.s32 $0xFFFFE000;
	s18 =	sor.u32 $0x600, s22  }
0x4c: {  	[tilespmem:s18], [sflag:s2] =	stream.indirect.gather.add.f32 [spmem:s3], $0x80, s19, s14, $0xb8;
	[tilespmem:$0x18740] =	vst v63  }
.LBB2_7:
0x4d: {  	s2 =	sadd.s32 $0xFFFFFFFB, s17  }
0x4e: {  	s2 =	smin.u32 s17, s2  }
0x4f: {  	s18 =	sadd.s32 $0x6, s2  }
0x50: {  	_ =	swait.ge [sflag:s18], $0x2000  }
0x51: {  	[sflag:s18] =	ssyncset.done $0x0  }
0x52: {  	s20 =	sadd.s32 $0xB, s2;
	[sflag:s18] =	ssyncadd.s32 $0xFFFFE000  }
0x53: {  	s2 =	sshll.u32 s2, $0xF;
	_ =	swait.ge [sflag:s20], $0x2000  }
0x54: {  	s2 =	sshra.s32 s2, $0x2;
	[sflag:s20] =	ssyncset.done $0x0  }
0x55: {  	s21 =	sor.u32 $0x640, s2;
	[sflag:s20] =	ssyncadd.s32 $0xFFFFE000  }
0x56: {  	s2 =	sadd.s32 $0xA640, s2;
	v0 =	vld [tilespmem:s21+$0xFFFFFFC0]  }
0x57: {  	v1 =	vld [tilespmem:s2+$0xFFFFFFC0]  }
0x58: {  	v2 =	vld [tilespmem:s21+$0xFFFFFFD0]  }
0x59: {  	v3 =	vld [tilespmem:s2+$0xFFFFFFD0]  }
0x5a: {  	v4 =	vld [tilespmem:s21+$0xFFFFFFE0]  }
0x5b: {  	v5 =	vld [tilespmem:s2+$0xFFFFFFE0]  }
0x5c: {  	v6 =	vld [tilespmem:s21+$0xFFFFFFF0]  }
0x5d: {  	v7 =	vld [tilespmem:s2+$0xFFFFFFF0]  }
0x5e: {  	v8 =	vld [tilespmem:s21+$0x0];
	v0 =	vsub.f32 v0, v1;
	v1 =	vsub.f32 v2, v3  }
0x5f: {  	v2 =	vld [tilespmem:s2+$0x0]  }
0x60: {  	v3 =	vld [tilespmem:s21+$0x10];
	v4 =	vsub.f32 v4, v5;
	v0 =	vmul.f32 v0, v0;
	v1 =	vmul.f32 v1, v1  }
0x61: {  	v5 =	vld [tilespmem:s2+$0x10]  }
0x62: {  	v9 =	vld [tilespmem:s21+$0x20];
	v6 =	vsub.f32 v6, v7;
	v4 =	vmul.f32 v4, v4;
	v1 =	vadd.f32 v1, v0  }
0x63: {  	v10 =	vld [tilespmem:s2+$0x20]  }
0x64: {  	v6 =	vmul.f32 v6, v6;
	v0 =	vld [tilespmem:s21+$0x30];
	v7 =	vsub.f32 v8, v2;
	v4 =	vadd.f32 v4, v1  }
0x65: {  	s19 =	sadd.s32 $0x80, s21;
	v1 =	vld [tilespmem:s2+$0x30]  }
0x66: {  	s20 =	sadd.s32 $0x80, s2;
	v2 =	vld [tilespmem:s19+$0xFFFFFFC0];
	v5 =	vsub.f32 v3, v5;
	v8 =	vmul.f32 v7, v7;
	v4 =	vadd.f32 v6, v4  }
0x67: {  	s22 =	sshll.u32 s17, $0xA;
	v7 =	vld [tilespmem:s20+$0xFFFFFFC0]  }
0x68: {  	s23 =	sand.u32 $0x3FFFFC00, s22;
	s17 =	simm.s32 $0x10;
	v6 =	vld [tilespmem:s19+$0xFFFFFFD0];
	v3 =	vadd.f32 v8, v4;
	v4 =	vmul.f32 v5, v5;
	v5 =	vsub.f32 v9, v10  }
0x69: {  	s18 =	simm.s32 $0x0;
	s21 =	simm.s32 $0x20;
	s2 =	sadd.s32 $0x14600, s23;
	v8 =	vld [tilespmem:s20+$0xFFFFFFD0]  }
.LBB2_8:
0x6a: {  	p1 =	seq.s32 s21, $0x3F0;
	v9 =	vld [tilespmem:s19+$0xFFFFFFE0];
	v3 =	vadd.f32 v4, v3;
	v4 =	vmul.f32 v5, v5;
	v0 =	vsub.f32 v0, v1  }
0x6b: {  	v1 =	vld [tilespmem:s20+$0xFFFFFFE0]  }
0x6c: {  	v5 =	vld [tilespmem:s19+$0xFFFFFFF0];
	v3 =	vadd.f32 v4, v3;
	v0 =	vmul.f32 v0, v0  }
0x6d: {  	s22 =	sand.u32 $0x380, s18;
	v2 =	vsub.f32 v2, v7;
	v4 =	vld [tilespmem:s20+$0xFFFFFFF0]  }
0x6e: {  	s23 =	sand.u32 $0x70, s18;
	s18 =	smov.u32 s17;
	s22 =	sadd.s32 s22, s2;
	v6 =	vsub.f32 v6, v8;
	v7 =	vld [tilespmem:s19+$0x0];
	v0 =	vadd.f32 v0, v3  }
0x6f: {  	s17 =	smov.u32 s21;
	s22 =	sadd.s32 s23, s22;
	v3 =	vld [tilespmem:s20+$0x0]  }
0x70: {  	v2 =	vmul.f32 v2, v2;
	v6 =	vmul.f32 v6, v6;
	v1 =	vsub.f32 v9, v1;
	v8 =	vld [tilespmem:s19+$0x10];
	[tilespmem:s22+$0x0] =	vst v0  }
0x71: {  	v9 =	vld [tilespmem:s20+$0x10]  }
0x72: {  	v0 =	vadd.f32 v6, v2;
	v1 =	vmul.f32 v1, v1;
	v2 =	vsub.f32 v5, v4;
	v5 =	vld [tilespmem:s19+$0x20]  }
0x73: {  	v10 =	vld [tilespmem:s20+$0x20]  }
0x74: {  	v4 =	vadd.f32 v1, v0;
	v6 =	vmul.f32 v2, v2;
	v3 =	vsub.f32 v7, v3;
	v0 =	vld [tilespmem:s19+$0x30]  }
.Ltmp3:
0x75: {  	s19 =	sadd.s32 $0x80, s19;
	v1 =	vld [tilespmem:s20+$0x30];
	(pc) =	sbr.rel @!p1 .LBB2_8-.Ltmp3, $4  }
0x76: {  	s20 =	sadd.s32 $0x80, s20;
	v2 =	vld [tilespmem:s19+$0xFFFFFFC0];
	v4 =	vadd.f32 v6, v4;
	v3 =	vmul.f32 v3, v3;
	v8 =	vsub.f32 v8, v9  }
0x77: {  	v7 =	vld [tilespmem:s20+$0xFFFFFFC0]  }
0x78: {  	v6 =	vld [tilespmem:s19+$0xFFFFFFD0];
	v3 =	vadd.f32 v3, v4;
	v4 =	vmul.f32 v8, v8;
	v5 =	vsub.f32 v5, v10  }
0x79: {  	s21 =	sadd.s32 $0x10, s21;
	v8 =	vld [tilespmem:s20+$0xFFFFFFD0]  }
0x7a: {  	v9 =	vld [tilespmem:s19+$0xFFFFFFE0]  }
0x7b: {  	v10 =	vld [tilespmem:s20+$0xFFFFFFE0]  }
0x7c: {  	v11 =	vld [tilespmem:s19+$0xFFFFFFF0]  }
0x7d: {  	v12 =	vld [tilespmem:s20+$0xFFFFFFF0]  }
0x7e: {  	v47 =	vld [tilespmem:s19+$0x0];
	v2 =	vsub.f32 v2, v7;
	v6 =	vsub.f32 v6, v8  }
0x7f: {  	v48 =	vld [tilespmem:s20+$0x0]  }
0x80: {  	v49 =	vld [tilespmem:s19+$0x10];
	v2 =	vmul.f32 v2, v2;
	v9 =	vsub.f32 v9, v10;
	v6 =	vmul.f32 v6, v6  }
0x81: {  	v13 =	vld [tilespmem:s20+$0x10]  }
0x82: {  	v52 =	vld [tilespmem:s19+$0x20];
	v51 =	vsub.f32 v11, v12;
	v50 =	vmul.f32 v9, v9;
	v2 =	vadd.f32 v6, v2  }
0x83: {  	v53 =	vld [tilespmem:s20+$0x20]  }
0x84: {  	v55 =	vld [tilespmem:s19+$0x30];
	v7 =	vsub.f32 v47, v48;
	v54 =	vmul.f32 v51, v51;
	v2 =	vadd.f32 v50, v2  }
0x85: {  	v56 =	vld [tilespmem:s20+$0x30]  }
0x86: {  	v57 =	vsub.f32 v49, v13;
	v7 =	vmul.f32 v7, v7;
	v2 =	vadd.f32 v54, v2;
	_ =	sdelay $0x1  }
0x87: {  	v58 =	vsub.f32 v52, v53;
	v6 =	vmul.f32 v57, v57;
	v2 =	vadd.f32 v7, v2  }
0x88: {  	v3 =	vadd.f32 v4, v3;
	v59 =	vmul.f32 v5, v5;
	v0 =	vsub.f32 v0, v1  }
0x89: {  	v62 =	vsub.f32 v55, v56;
	v61 =	vmul.f32 v58, v58;
	v60 =	vadd.f32 v6, v2  }
0x8a: {  	v3 =	vadd.f32 v59, v3;
	v0 =	vmul.f32 v0, v0  }
0x8b: {  	s23 =	sand.u32 $0x380, s18;
	v63 =	vmul.f32 v62, v62;
	v1 =	vadd.f32 v61, v60  }
0x8c: {  	s20 =	sand.u32 $0x70, s18;
	s21 =	sand.u32 $0x380, s17;
	s19 =	sadd.s32 s23, s2;
	v0 =	vadd.f32 v0, v3  }
0x8d: {  	s22 =	sand.u32 $0x70, s17;
	s23 =	sadd.s32 s21, s2;
	s18 =	sadd.s32 s20, s19;
	v1 =	vadd.f32 v63, v1  }
0x8e: {  	s2 =	sadd.s32 s22, s23;
	[tilespmem:s18+$0x0] =	vst v0  }
0x8f: {  	[tilespmem:s2+$0x0] =	vst v1  }
0x90: {  	p1 =	sgt.u32 s16, $0x7  }
.Ltmp4:
0x91: {  	_ = 	snop;
	(pc) =	sbr.rel @!p1 .LBB2_3-.Ltmp4, $2  }
0x92: {  	_ =	sdelay $0x2  }
0x93: {  	s2 =	simm.s32 $0x0;
	s18 =	simm.s32 $0x14680;
	s17 =	smov.u32 s16  }
0x94: {  	v0 =	vld [tilespmem:s18+$0x60]  }
0x95: {  	v1 =	vld [tilespmem:s18+$0x40]  }
0x96: {  	v2 =	vld [tilespmem:s18+$0x30]  }
0x97: {  	v3 =	vld [tilespmem:s18+$0x10]  }
0x98: {  	v4 =	vld [tilespmem:s18+$0x0]  }
0x99: {  	(xrf2) =	vadd.scan.msk.f32 $0xffff, v0;
	v0 =	vld [tilespmem:s18+$0xFFFFFFE0]  }
0x9a: {  	(xrf2) =	vadd.scan.msk.f32 $0xffff, v1;
	v1 =	vld [tilespmem:s18+$0xFFFFFFD0]  }
0x9b: {  	(xrf2) =	vadd.scan.msk.f32 $0xffff, v2;
	v2 =	vld [tilespmem:s18+$0xFFFFFFB0]  }
0x9c: {  	(xrf2) =	vadd.scan.msk.f32 $0xffff, v3;
	v3 =	vld [tilespmem:s18+$0xFFFFFFA0]  }
0x9d: {  	(xrf2) =	vadd.scan.msk.f32 $0xffff, v4;
	v4 =	vld [tilespmem:s18+$0xFFFFFF80]  }
0x9e: {  	(xrf2) =	vadd.scan.msk.f32 $0xffff, v0;
	v0 =	vld [tilespmem:s18+$0xFFFFFF90]  }
0x9f: {  	(xrf2) =	vadd.scan.msk.f32 $0xffff, v1  }
0xa0: {  	(xrf2) =	vadd.scan.msk.f32 $0xffff, v2  }
0xa1: {  	v1 =	vld [tilespmem:s18+$0xFFFFFFC0];
	(xrf2) =	vadd.scan.msk.f32 $0xffff, v3  }
0xa2: {  	(xrf2) =	vadd.scan.msk.f32 $0xffff, v4  }
0xa3: {  	v2, _, _ =	vpop (xrf2);
	(xrf2) =	vadd.scan.msk.f32 $0xffff, v0  }
0xa4: {  	v3 =	vld [tilespmem:s18+$0xFFFFFFF0];
	v0, _, _ =	vpop (xrf2)  }
0xa5: {  	v4, _, _ =	vpop (xrf2)  }
0xa6: {  	(xrf2) =	vadd.scan.msk.f32 $0xffff, v1;
	v5, _, _ =	vpop (xrf2)  }
0xa7: {  	v1, _, _ =	vpop (xrf2)  }
0xa8: {  	v6 =	vld [tilespmem:s18+$0x20];
	v7, _, _ =	vpop (xrf2)  }
0xa9: {  	(xrf2) =	vadd.scan.msk.f32 $0xffff, v3;
	v8, _, _ =	vpop (xrf2)  }
0xaa: {  	v3, _, _ =	vpop (xrf2)  }
0xab: {  	v9 =	vld [tilespmem:s18+$0x50];
	v10, _, _ =	vpop (xrf2)  }
0xac: {  	v11, _, _ =	vpop (xrf2)  }
0xad: {  	(xrf2) =	vadd.scan.msk.f32 $0xffff, v6;
	v6, _, _ =	vpop (xrf2)  }
0xae: {  	v11 =	vbroadcast v11, $0xF;
	v6 =	vbroadcast v6, $0xF  }
0xaf: {  	v10 =	vbroadcast v10, $0xF  }
0xb0: {  	(xrf2) =	vadd.scan.msk.f32 $0xffff, v9;
	v3 =	vbroadcast v3, $0xF;
	v9, _, _ =	vpop (xrf2);
	v6 =	vsel vm0, v11, v6  }
0xb1: {  	v9 =	vbroadcast v9, $0xF;
	v6 =	vsel vm1, v6, v10  }
0xb2: {  	v12 =	vld [tilespmem:s18+$0x70];
	v3 =	vsel vm2, v6, v3;
	v6 =	vbroadcast v8, $0xF  }
0xb3: {  	v8, _, _ =	vpop (xrf2);
	v3 =	vsel vm3, v3, v9  }
0xb4: {  	v3 =	vsel vm4, v3, v6;
	v6 =	vbroadcast v8, $0xF  }
0xb5: {  	v7 =	vbroadcast v7, $0xF;
	_ =	sdelay $0x1  }
0xb6: {  	v1 =	vbroadcast v1, $0xF;
	(xrf2) =	vadd.scan.msk.f32 $0xffff, v12;
	v3 =	vsel vm5, v3, v7  }
0xb7: {  	v3 =	vsel vm6, v3, v6;
	v6, _, _ =	vpop (xrf2)  }
0xb8: {  	v1 =	vsel vm7, v3, v1;
	v3 =	vbroadcast v6, $0xF  }
0xb9: {  	v5 =	vbroadcast v5, $0xF;
	_ =	sdelay $0x1  }
0xba: {  	s17 =	simm.s32 $0x14780;
	v4 =	vbroadcast v4, $0xF;
	v1 =	vsel vm8, v1, v5  }
0xbb: {  	v0 =	vbroadcast v0, $0xF;
	v5 =	vld [tilespmem:s17+$0x60];
	v1 =	vsel vm9, v1, v3;
	v3, _, _ =	vpop (xrf2)  }
0xbc: {  	v6 =	vld [tilespmem:s17+$0x40];
	v1 =	vsel vm10, v1, v4;
	v3 =	vbroadcast v3, $0xF  }
0xbd: {  	v7 =	vld [tilespmem:s17+$0x30];
	v0 =	vsel vm11, v1, v0;
	v1 =	vbroadcast v2, $0xF  }
0xbe: {  	v2 =	vld [tilespmem:s17+$0x10];
	v0 =	vsel vm12, v0, v3  }
0xbf: {  	v4, _, _ =	vpop (xrf2);
	v0 =	vsel vm13, v0, v1  }
0xc0: {  	(xrf2) =	vadd.scan.msk.f32 $0xffff, v5;
	v1 =	vsel vm14, v0, v4  }
0xc1: {  	(xrf2) =	vadd.scan.msk.f32 $0xffff, v6;
	v3 =	vld [tilespmem:s17+$0x0];
	v5 =	vshra.s32 v1, $0x1;
	v4 =	vmul.f32 $5.000000000e-01, v1  }
0xc2: {  	(xrf2) =	vadd.scan.msk.f32 $0xffff, v7;
	v0 =	vld [tilespmem:s17+$0xFFFFFFE0];
	v5 =	vsub.s32 $0x5F3759DF, v5  }
0xc3: {  	(xrf2) =	vadd.scan.msk.f32 $0xffff, v2;
	v2 =	vmul.f32 v5, v4;
	_ =	sdelay $0x1  }
0xc4: {  	v2 =	vmul.f32 v5, v2  }
0xc5: {  	v6 =	vld [tilespmem:s17+$0xFFFFFFD0];
	(xrf2) =	vadd.scan.msk.f32 $0xffff, v3  }
0xc6: {  	(xrf2) =	vadd.scan.msk.f32 $0xffff, v0;
	v0 =	vsub.f32 $1.500000000e+00, v2;
	_ =	sdelay $0x1  }
0xc7: {  	v8 =	vld [tilespmem:s17+$0xFFFFFFB0];
	_ =	sdelay $0x1  }
0xc8: {  	v7 =	vmul.f32 v5, v0;
	v0, _, _ =	vpop (xrf2);
	(xrf2) =	vadd.scan.msk.f32 $0xffff, v6  }
0xc9: {  	v9 =	vld [tilespmem:s17+$0xFFFFFFA0]  }
0xca: {  	v10 =	vmul.f32 v7, v4  }
0xcb: {  	v2, _, _ =	vpop (xrf2);
	(xrf2) =	vadd.scan.msk.f32 $0xffff, v8  }
0xcc: {  	v3, _, _ =	vpop (xrf2);
	v11 =	vmul.f32 v10, v7;
	v10 =	vld [tilespmem:s17+$0xFFFFFF80]  }
0xcd: {  	v5, _, _ =	vpop (xrf2)  }
0xce: {  	(xrf2) =	vadd.scan.msk.f32 $0xffff, v9;
	v6, _, _ =	vpop (xrf2);
	v9 =	vsub.f32 $1.500000000e+00, v11  }
0xcf: {  	s16 =	simm.s32 $0x40;
	s18 =	simm.s32 $0x80;
	v11 =	vld [tilespmem:s17+$0xFFFFFF90];
	v8, _, _ =	vpop (xrf2)  }
.LBB2_11:
0xd0: {  	p1 =	sne.s32 s18, $0x7C0;
	v7 =	vmul.f32 v9, v7  }
0xd1: {  	(xrf2) =	vadd.scan.msk.f32 $0xffff, v10  }
0xd2: {  	v9 =	vld [tilespmem:s17+$0xFFFFFFC0];
	v10, _, _ =	vpop (xrf2);
	v4 =	vmul.f32 v7, v4;
	_ =	sdelay $0x1  }
0xd3: {  	(xrf2) =	vadd.scan.msk.f32 $0xffff, v11;
	v4 =	vmul.f32 v4, v7  }
0xd4: {  	v11 =	vld [tilespmem:s17+$0xFFFFFFF0];
	v12, _, _ =	vpop (xrf2)  }
0xd5: {  	v4 =	vsub.f32 $1.500000000e+00, v4  }
0xd6: {  	(xrf2) =	vadd.scan.msk.f32 $0xffff, v9  }
0xd7: {  	v9 =	vld [tilespmem:s17+$0x20];
	v13, _, _ =	vpop (xrf2);
	v4 =	vmul.f32 v4, v7;
	_ =	sdelay $0x1  }
0xd8: {  	(xrf2) =	vadd.scan.msk.f32 $0xffff, v11;
	v1 =	vmul.f32 v4, v1  }
0xd9: {  	v4 =	vld [tilespmem:s17+$0x50];
	v7, _, _ =	vpop (xrf2)  }
0xda: {  	v1 =	vsub.f32 $0.0e+00, v1  }
0xdb: {  	s19 =	sshra.s32 s2, $0x2;
	s2 =	smov.u32 s16;
	s16 =	smov.u32 s18;
	(xrf2) =	vadd.scan.msk.f32 $0xffff, v9  }
0xdc: {  	v9 =	vld [tilespmem:s17+$0x70];
	v11, _, _ =	vpop (xrf2);
	[tilespmem:s19+$0x16600] =	vst v1  }
0xdd: {  	v1 =	vbroadcast v7, $0xF;
	v7 =	vbroadcast v11, $0xF  }
0xde: {  	s17 =	sadd.s32 $0x100, s17;
	v11 =	vbroadcast v13, $0xF;
	(xrf2) =	vadd.scan.msk.f32 $0xffff, v4  }
0xdf: {  	v4 =	vld [tilespmem:s17+$0x60];
	v1 =	vsel vm0, v1, v7;
	v7 =	vbroadcast v12, $0xF;
	v12, _, _ =	vpop (xrf2)  }
0xe0: {  	v1 =	vsel vm1, v1, v11;
	v11 =	vbroadcast v12, $0xF  }
0xe1: {  	v1 =	vsel vm2, v1, v7;
	v7 =	vbroadcast v10, $0xF;
	(xrf2) =	vadd.scan.msk.f32 $0xffff, v9  }
0xe2: {  	v8 =	vbroadcast v8, $0xF;
	v9 =	vld [tilespmem:s17+$0x40];
	v1 =	vsel vm3, v1, v11;
	v10, _, _ =	vpop (xrf2)  }
0xe3: {  	v1 =	vsel vm4, v1, v7;
	v10 =	vbroadcast v10, $0xF  }
0xe4: {  	(xrf2) =	vadd.scan.msk.f32 $0xffff, v4;
	v1 =	vsel vm5, v1, v8;
	v4 =	vbroadcast v6, $0xF  }
0xe5: {  	v5 =	vbroadcast v5, $0xF;
	v6 =	vld [tilespmem:s17+$0x30];
	v1 =	vsel vm6, v1, v10;
	v7, _, _ =	vpop (xrf2)  }
0xe6: {  	v1 =	vsel vm7, v1, v4;
	v7 =	vbroadcast v7, $0xF  }
0xe7: {  	v3 =	vbroadcast v3, $0xF;
	(xrf2) =	vadd.scan.msk.f32 $0xffff, v9;
	v1 =	vsel vm8, v1, v5  }
0xe8: {  	v2 =	vbroadcast v2, $0xF;
	v5 =	vld [tilespmem:s17+$0x10];
	v1 =	vsel vm9, v1, v7;
	v4, _, _ =	vpop (xrf2)  }
0xe9: {  	v1 =	vsel vm10, v1, v3;
	v4 =	vbroadcast v4, $0xF  }
0xea: {  	v0 =	vbroadcast v0, $0xF;
	(xrf2) =	vadd.scan.msk.f32 $0xffff, v6;
	v1 =	vsel vm11, v1, v2  }
0xeb: {  	v2 =	vld [tilespmem:s17+$0x0];
	v1 =	vsel vm12, v1, v4;
	v3, _, _ =	vpop (xrf2)  }
0xec: {  	v4 =	vsel vm13, v1, v0  }
0xed: {  	(xrf2) =	vadd.scan.msk.f32 $0xffff, v5;
	v1 =	vsel vm14, v4, v3  }
0xee: {  	v3 =	vld [tilespmem:s17+$0xFFFFFFE0];
	v0, _, _ =	vpop (xrf2);
	v5 =	vshra.s32 v1, $0x1;
	v4 =	vmul.f32 $5.000000000e-01, v1  }
0xef: {  	v5 =	vsub.s32 $0x5F3759DF, v5  }
0xf0: {  	(xrf2) =	vadd.scan.msk.f32 $0xffff, v2;
	v6 =	vmul.f32 v5, v4  }
0xf1: {  	v7 =	vld [tilespmem:s17+$0xFFFFFFD0];
	v2, _, _ =	vpop (xrf2)  }
0xf2: {  	v6 =	vmul.f32 v5, v6  }
0xf3: {  	(xrf2) =	vadd.scan.msk.f32 $0xffff, v3  }
0xf4: {  	v8 =	vld [tilespmem:s17+$0xFFFFFFB0];
	v3, _, _ =	vpop (xrf2);
	v6 =	vsub.f32 $1.500000000e+00, v6;
	_ =	sdelay $0x1  }
0xf5: {  	(xrf2) =	vadd.scan.msk.f32 $0xffff, v7;
	v7 =	vmul.f32 v5, v6  }
0xf6: {  	v9 =	vld [tilespmem:s17+$0xFFFFFFA0];
	v5, _, _ =	vpop (xrf2)  }
0xf7: {  	v11 =	vmul.f32 v7, v4  }
.Ltmp5:
0xf8: {  	(xrf2) =	vadd.scan.msk.f32 $0xffff, v8;
	(pc) =	sbr.rel @p1 .LBB2_11-.Ltmp5, $3  }
0xf9: {  	v10 =	vld [tilespmem:s17+$0xFFFFFF80];
	v6, _, _ =	vpop (xrf2);
	v12 =	vmul.f32 v11, v7;
	_ =	sdelay $0x1  }
0xfa: {  	(xrf2) =	vadd.scan.msk.f32 $0xffff, v9;
	v9 =	vsub.f32 $1.500000000e+00, v12  }
0xfb: {  	s18 =	sadd.s32 $0x40, s18;
	v11 =	vld [tilespmem:s17+$0xFFFFFF90];
	v8, _, _ =	vpop (xrf2)  }
0xfc: {  	_ =	sdelay $0x1  }
0xfd: {  	v12 =	vld [tilespmem:s17+$0xFFFFFFC0]  }
0xfe: {  	(xrf2) =	vadd.scan.msk.f32 $0xffff, v10  }
0xff: {  	(xrf2) =	vadd.scan.msk.f32 $0xffff, v11  }
0x100: {  	v45 =	vld [tilespmem:s17+$0xFFFFFFF0];
	_ =	sdelay $0x1  }
0x101: {  	(xrf2) =	vadd.scan.msk.f32 $0xffff, v12  }
0x102: {  	v46 =	vld [tilespmem:s17+$0x20];
	_ =	sdelay $0x1  }
0x103: {  	v47, _, _ =	vpop (xrf2);
	(xrf2) =	vadd.scan.msk.f32 $0xffff, v45  }
0x104: {  	v13 =	vld [tilespmem:s17+$0x50];
	v48, _, _ =	vpop (xrf2)  }
0x105: {  	v14, _, _ =	vpop (xrf2)  }
0x106: {  	(xrf2) =	vadd.scan.msk.f32 $0xffff, v46;
	v15, _, _ =	vpop (xrf2)  }
0x107: {  	v49, _, _ =	vpop (xrf2)  }
0x108: {  	v16 =	vld [tilespmem:s17+$0x70];
	v15 =	vbroadcast v15, $0xF;
	v11 =	vbroadcast v49, $0xF  }
0x109: {  	(xrf2) =	vadd.scan.msk.f32 $0xffff, v13;
	v50 =	vbroadcast v14, $0xF  }
0x10a: {  	v10 =	vbroadcast v48, $0xF;
	v51, _, _ =	vpop (xrf2);
	v11 =	vsel vm0, v15, v11  }
0x10b: {  	v52 =	vbroadcast v51, $0xF;
	v11 =	vsel vm1, v11, v50  }
0x10c: {  	v53 =	vbroadcast v47, $0xF;
	v10 =	vsel vm2, v11, v10  }
0x10d: {  	v8 =	vbroadcast v8, $0xF;
	(xrf2) =	vadd.scan.msk.f32 $0xffff, v16;
	v54, _, _ =	vpop (xrf2);
	v10 =	vsel vm3, v10, v52  }
0x10e: {  	v55 =	vbroadcast v54, $0xF;
	v10 =	vsel vm4, v10, v53  }
0x10f: {  	v6 =	vbroadcast v6, $0xF;
	v8 =	vsel vm5, v10, v8  }
0x110: {  	v5 =	vbroadcast v5, $0xF;
	v56, _, _ =	vpop (xrf2);
	v8 =	vsel vm6, v8, v55  }
0x111: {  	v57 =	vbroadcast v56, $0xF;
	v6 =	vsel vm7, v8, v6  }
0x112: {  	v3 =	vbroadcast v3, $0xF;
	v5 =	vsel vm8, v6, v5  }
0x113: {  	v2 =	vbroadcast v2, $0xF;
	v58, _, _ =	vpop (xrf2);
	v5 =	vsel vm9, v5, v57  }
0x114: {  	v59 =	vbroadcast v58, $0xF;
	v3 =	vsel vm10, v5, v3  }
0x115: {  	v0 =	vbroadcast v0, $0xF;
	v2 =	vsel vm11, v3, v2  }
0x116: {  	v2 =	vsel vm12, v2, v59  }
0x117: {  	v60, _, _ =	vpop (xrf2);
	v0 =	vsel vm13, v2, v0  }
0x118: {  	v0 =	vsel vm14, v0, v60  }
0x119: {  	v61 =	vshra.s32 v0, $0x1;
	v3 =	vmul.f32 $5.000000000e-01, v0  }
0x11a: {  	v2 =	vsub.s32 $0x5F3759DF, v61  }
0x11b: {  	v62 =	vmul.f32 v2, v3;
	_ =	sdelay $0x1  }
0x11c: {  	v5 =	vmul.f32 v2, v62;
	_ =	sdelay $0x1  }
0x11d: {  	v5 =	vsub.f32 $1.500000000e+00, v5;
	_ =	sdelay $0x1  }
0x11e: {  	v2 =	vmul.f32 v2, v5;
	_ =	sdelay $0x1  }
0x11f: {  	v5 =	vmul.f32 v2, v3;
	_ =	sdelay $0x1  }
0x120: {  	v5 =	vmul.f32 v5, v2;
	_ =	sdelay $0x1  }
0x121: {  	v5 =	vsub.f32 $1.500000000e+00, v5  }
0x122: {  	v63 =	vmul.f32 v9, v7  }
0x123: {  	v2 =	vmul.f32 v5, v2  }
0x124: {  	v4 =	vmul.f32 v63, v4  }
0x125: {  	v3 =	vmul.f32 v2, v3  }
0x126: {  	v4 =	vmul.f32 v4, v63  }
0x127: {  	v3 =	vmul.f32 v3, v2  }
0x128: {  	v4 =	vsub.f32 $1.500000000e+00, v4  }
0x129: {  	v3 =	vsub.f32 $1.500000000e+00, v3  }
0x12a: {  	v4 =	vmul.f32 v4, v63  }
0x12b: {  	v2 =	vmul.f32 v3, v2  }
0x12c: {  	v1 =	vmul.f32 v4, v1  }
0x12d: {  	v0 =	vmul.f32 v2, v0  }
0x12e: {  	v1 =	vsub.f32 $0.0e+00, v1  }
0x12f: {  	s2 =	sshra.s32 s2, $0x2;
	s0 =	sadd.s32 $0x1, s0;
	v0 =	vsub.f32 $0.0e+00, v0  }
0x130: {  	s23 =	sshra.s32 s16, $0x2;
	p1 =	sne.s32 s0, s9;
	[tilespmem:s2+$0x16600] =	vst v1  }
.Ltmp6:
0x131: {  	[tilespmem:s23+$0x16600] =	vst v0;
	(pc) =	sbr.rel @p1 .LBB2_1-.Ltmp6, $4  }
0x132: {  	[hbm4b:s8+s4] =	stream.linear.scatter [tilespmem:s30], [sflag:$0x11], $0x200, $0x38;
	[tilespmem:$0x18740] =	vst v63  }
0x133: {  	_ =	swait.ge [sflag:s31], $0x200  }
0x134: {  	[sflag:s31] =	ssyncset.done $0x0  }
0x135: {  	[sflag:s31] =	ssyncadd.s32 $0xFFFFFE00  }
0x136: {  	_ =	sfence.sel $0x180000  }
0x137: {  	[bflag:$0x0] =	sbarrier.arrive $0xFFFF  }
0x138: {  	_ =	strace $0x90000047  }
0x139: {  	[bflag:$0x2] =	sbarrier.arrive $0xFFFF  }
0x13a: {  	s0 =	rddreg [dreg:$0x7]  }
0x13b: {  	s0 =	sadd.s32 @!p0 $0x100000, s0  }
0x13c: {  	[sflag:s0] =	ssyncadd.tile.s32 @!p0 $0x1;
	_ =	shalt  }
.Lfunc_end2:
_tile_overlayer_lowered:
.L_overlay_start_2:
0x13d: {  	(tag) =	ssettag $0x2  }
0x13e: {  	s0 =	rddreg [dreg:$0x0];
	s2 =	stileid.u32  }
0x13f: {  	s1 =	rddreg [dreg:$0x1];
	p0 =	sne.s32 s2, $0x0  }
0x140: {  	s3 =	rddreg [dreg:$0x2];
	[bflag:$0x3] =	sbarrier.arrive $0xFFFF;
	s2 =	simm.s32 @!p0 $0x1C11  }
0x141: {  	[timem:s3], [sflag:s2] =	dma.local @!p0 [hbm:s0], s1  }
0x142: {  	s0 =	simm.s32 @!p0 $0x11  }
0x143: {  	_ =	swait.ge @!p0 [sflag:s0], s1  }
0x144: {  	s1 =	ssub.s32 @!p0 $0x0, s1;
	[sflag:s0] =	ssyncset.done @!p0 $0x0  }
0x145: {  	[sflag:s0] =	ssyncadd.s32 @!p0 s1  }
0x146: {  	[bflag:$0x3] =	sbarrier.arrive $0xFFFF  }
0x147: {  	_ =	shalt  }

</sc_bundles>
